<compile_context>
chip_gen: v7x
topology: tpu7x:2x2x1
jax: 0.10.2.dev20260603
libtpu: 0.0.44.dev20260713+nightly
codegen_flags: <defaults>
</compile_context>

<pallas_src>
import functools

import jax
import jax.numpy as jnp
from jax import lax
from jax.experimental import pallas as pl
from jax.experimental.pallas import tpu as pltpu
from jax.experimental.pallas import tpu_sc as plsc

_D = 1024
_NW = 32
_NC = 2
_CH = 16


_NBUF = 4


def _emb_body(idx_hbm, table_hbm, out_hbm, idx_v, rows_v,
              g0, g1, g2, g3, s0, s1, s2, s3):
    gsems = (g0, g1, g2, g3)
    ssems = (s0, s1, s2, s3)
    bpw = idx_hbm.shape[0] // _NW
    nchunk = bpw // _CH
    ngroup = nchunk // _NBUF
    wid = lax.axis_index("s") * _NC + lax.axis_index("c")
    base = wid * bpw

    pltpu.sync_copy(idx_hbm.at[pl.ds(base, bpw)], idx_v)

    def gather(c, bf):
        return pltpu.make_async_copy(
            table_hbm.at[idx_v.at[pl.ds(c * _CH, _CH)]], rows_v.at[bf],
            gsems[bf])

    def scatter(c, bf):
        return pltpu.make_async_copy(
            rows_v.at[bf], out_hbm.at[pl.ds(base + c * _CH, _CH)], ssems[bf])

    for bf in range(_NBUF):
        gather(bf, bf).start()

    def group(g, carry):
        for bf in range(_NBUF):
            c = g * _NBUF + bf
            gather(c, bf).wait()
            scatter(c, bf).start()
            scatter(c, bf).wait()
            gather(c + _NBUF, bf).start()
        return carry

    lax.fori_loop(0, ngroup - 1, group, 0)

    for bf in range(_NBUF):
        c = (ngroup - 1) * _NBUF + bf
        gather(c, bf).wait()
        scatter(c, bf).start()
        scatter(c, bf).wait()


def kernel(position_ids, weight):
    batch, seq = position_ids.shape
    b = batch * seq
    idx = position_ids.reshape(b).astype(jnp.int32)

    mesh = plsc.VectorSubcoreMesh(core_axis_name="c", subcore_axis_name="s")
    bpw = b // _NW

    run = functools.partial(
        pl.kernel,
        mesh=mesh,
        out_type=jax.ShapeDtypeStruct((b, _D), jnp.float32),
        scratch_types=[
            pltpu.VMEM((bpw,), jnp.int32),
            pltpu.VMEM((_NBUF, _CH, _D), jnp.float32),
        ] + [pltpu.SemaphoreType.DMA] * 8,
    )(_emb_body)

    out = run(idx, weight)
    return out.reshape(batch, seq, _D)

# --- scband reference (transcript-rebuilt; emitter-appended) ---
"""Pipeline reference for scband-learned-positional-embedding-21706764714727 (READ-ONLY COPY).

The authoritative reference and input builder live on the scoring server;
editing this copy changes nothing except your own understanding.
"""

import jax, jax.numpy as jnp
import numpy as np
import math

MAX_LEN = 8192
EMBED_DIM = 1024
BATCH = 4
SEQ_LEN = 8192

def _xavier_uniform(key, shape, dtype=jnp.float32):
    fan_in, fan_out = shape[1], shape[0]
    # torch xavier_uniform on nn.Embedding.weight [num_embeddings, dim]:
    # fan_in = dim (last dim), fan_out = num_embeddings (first dim)
    fan_in = shape[1]
    fan_out = shape[0]
    a = math.sqrt(6.0 / (fan_in + fan_out))
    return jax.random.uniform(key, shape, dtype=dtype, minval=-a, maxval=a)

def setup_inputs(seed: int = 0) -> dict:
    key = jax.random.key(seed)
    k_idx, k_w = jax.random.split(key)
    position_ids = jax.random.randint(k_idx, (BATCH, SEQ_LEN), 0, MAX_LEN, dtype=jnp.int64 if jax.config.jax_enable_x64 else jnp.int32)
    weight = _xavier_uniform(k_w, (MAX_LEN, EMBED_DIM))
    return {"position_ids": position_ids, "weight": weight}

def reference(position_ids, weight):
    # nn.Embedding lookup: gather rows of the table by absolute position index
    return jnp.take(weight, position_ids, axis=0)

if __name__ == "__main__":
    import jax
    _d = setup_inputs()
    print(jax.jit(kernel)(*tuple(_d.values())))

</pallas_src>

<mosaic_0001>
#map = affine_map<(d0, d1) -> (0)>
#map1 = affine_map<(d0, d1) -> (0, 0)>
module attributes {stable_mosaic.version = 14 : i64} {
  func.func @_emb_body(%arg0: i32, %arg1: i32, %arg2: memref<32768xi32, #tpu.memory_space<hbm>>, %arg3: memref<8192x1024xf32, #tpu.memory_space<hbm>>, %arg4: memref<32768x1024xf32, #tpu.memory_space<hbm>>, %arg5: memref<1024xi32, #tpu.memory_space<vmem>>, %arg6: memref<4x16x1024xf32, #tpu.memory_space<vmem>>, %arg7: memref<!tpu.dma_semaphore, #tpu.memory_space<semaphore_mem>>, %arg8: memref<!tpu.dma_semaphore, #tpu.memory_space<semaphore_mem>>, %arg9: memref<!tpu.dma_semaphore, #tpu.memory_space<semaphore_mem>>, %arg10: memref<!tpu.dma_semaphore, #tpu.memory_space<semaphore_mem>>, %arg11: memref<!tpu.dma_semaphore, #tpu.memory_space<semaphore_mem>>, %arg12: memref<!tpu.dma_semaphore, #tpu.memory_space<semaphore_mem>>, %arg13: memref<!tpu.dma_semaphore, #tpu.memory_space<semaphore_mem>>, %arg14: memref<!tpu.dma_semaphore, #tpu.memory_space<semaphore_mem>>) attributes {dimension_semantics = [#tpu.dimension_semantics<core_parallel>, #tpu.dimension_semantics<subcore_parallel>], iteration_bounds = array<i64: 2, 16>, scalar_prefetch = 0 : i64, scratch_operands = 10 : i64, tpu.core_type = #tpu.core_type<sc_vector_subcore>, window_params = [{transform_indices = #map}, {transform_indices = #map1}, {transform_indices = #map1}]} {
    %mul3A = arith.constant 2 : i32
    %mul3A_0 = arith.muli %arg1, %mul3A : i32
    %add3A = arith.addi %mul3A_0, %arg0 : i32
    %mul3A_1 = arith.constant 1024 : i32
    %mul3A_2 = arith.muli %add3A, %mul3A_1 : i32
    "tpu.region"() ({
      %run_scoped3A = tpu.sem_alloc : memref<!tpu.dma_semaphore, #tpu.memory_space<semaphore_mem>>
      %dma_start3A_206 = tpu.memref_slice %arg2[%mul3A_2] : memref<32768xi32, #tpu.memory_space<hbm>> -> memref<1024xi32, #tpu.memory_space<hbm>>
      %dma_start3A_207 = tpu.memref_slice %arg2[%mul3A_2] : memref<32768xi32, #tpu.memory_space<hbm>> -> memref<1024xi32, #tpu.memory_space<hbm>>
      tpu.enqueue_dma source(%dma_start3A_207 : memref<1024xi32, #tpu.memory_space<hbm>>) target(%arg5 : memref<1024xi32, #tpu.memory_space<vmem>>) target_semaphore(%run_scoped3A : memref<!tpu.dma_semaphore, #tpu.memory_space<semaphore_mem>>)
      %dma_wait3A_208 = tpu.memref_slice %arg2[%mul3A_2] : memref<32768xi32, #tpu.memory_space<hbm>> -> memref<1024xi32, #tpu.memory_space<hbm>>
      %dma_wait3A_209 = tpu.memref_slice %arg2[%mul3A_2] : memref<32768xi32, #tpu.memory_space<hbm>> -> memref<1024xi32, #tpu.memory_space<hbm>>
      tpu.wait_dma2 semaphore(%run_scoped3A : memref<!tpu.dma_semaphore, #tpu.memory_space<semaphore_mem>>) src(%dma_wait3A_209 : memref<1024xi32, #tpu.memory_space<hbm>>) dst(%arg5 : memref<1024xi32, #tpu.memory_space<vmem>>)
      tpu.yield
    }) : () -> ()
    %dma_start3A = arith.constant 0 : i32
    %dma_start3A_3 = arith.constant 0 : i32
    %dma_start3A_4 = arith.constant 0 : i32
    %dma_start3A_5 = tpu.memref_slice %arg6[%dma_start3A, %dma_start3A_3, %dma_start3A_4] : memref<4x16x1024xf32, #tpu.memory_space<vmem>> -> memref<1x16x1024xf32, #tpu.memory_space<vmem>>
    %dma_start3A_6 = tpu.memref_squeeze %dma_start3A_5 : memref<1x16x1024xf32, #tpu.memory_space<vmem>> -> memref<16x1024xf32, #tpu.memory_space<vmem>>
    %dma_start3A_7 = arith.constant 0 : i32
    %dma_start3A_8 = tpu.memref_slice %arg5[%dma_start3A_7] : memref<1024xi32, #tpu.memory_space<vmem>> -> memref<16xi32, #tpu.memory_space<vmem>>
    %dma_start3A_9 = arith.constant 0 : i32
    %dma_start3A_10 = arith.constant 0 : i32
    %dma_start3A_11 = tpu.memref_slice %arg3[%dma_start3A_9, %dma_start3A_10] : memref<8192x1024xf32, #tpu.memory_space<hbm>> -> memref<8192x1024xf32, #tpu.memory_space<hbm>>
    tpu.enqueue_indirect_dma source(%dma_start3A_11 : memref<8192x1024xf32, #tpu.memory_space<hbm>>) target(%dma_start3A_6 : memref<16x1024xf32, #tpu.memory_space<vmem>>) offsets(%dma_start3A_8 : memref<16xi32, #tpu.memory_space<vmem>>) semaphore(%arg7 : memref<!tpu.dma_semaphore, #tpu.memory_space<semaphore_mem>>)
    %dma_start3A_12 = arith.constant 1 : i32
    %dma_start3A_13 = arith.constant 0 : i32
    %dma_start3A_14 = arith.constant 0 : i32
    %dma_start3A_15 = tpu.memref_slice %arg6[%dma_start3A_12, %dma_start3A_13, %dma_start3A_14] : memref<4x16x1024xf32, #tpu.memory_space<vmem>> -> memref<1x16x1024xf32, #tpu.memory_space<vmem>>
    %dma_start3A_16 = tpu.memref_squeeze %dma_start3A_15 : memref<1x16x1024xf32, #tpu.memory_space<vmem>> -> memref<16x1024xf32, #tpu.memory_space<vmem>>
    %dma_start3A_17 = arith.constant 16 : i32
    %dma_start3A_18 = tpu.memref_slice %arg5[%dma_start3A_17] : memref<1024xi32, #tpu.memory_space<vmem>> -> memref<16xi32, #tpu.memory_space<vmem>>
    %dma_start3A_19 = arith.constant 0 : i32
    %dma_start3A_20 = arith.constant 0 : i32
    %dma_start3A_21 = tpu.memref_slice %arg3[%dma_start3A_19, %dma_start3A_20] : memref<8192x1024xf32, #tpu.memory_space<hbm>> -> memref<8192x1024xf32, #tpu.memory_space<hbm>>
    tpu.enqueue_indirect_dma source(%dma_start3A_21 : memref<8192x1024xf32, #tpu.memory_space<hbm>>) target(%dma_start3A_16 : memref<16x1024xf32, #tpu.memory_space<vmem>>) offsets(%dma_start3A_18 : memref<16xi32, #tpu.memory_space<vmem>>) semaphore(%arg8 : memref<!tpu.dma_semaphore, #tpu.memory_space<semaphore_mem>>)
    %dma_start3A_22 = arith.constant 2 : i32
    %dma_start3A_23 = arith.constant 0 : i32
    %dma_start3A_24 = arith.constant 0 : i32
    %dma_start3A_25 = tpu.memref_slice %arg6[%dma_start3A_22, %dma_start3A_23, %dma_start3A_24] : memref<4x16x1024xf32, #tpu.memory_space<vmem>> -> memref<1x16x1024xf32, #tpu.memory_space<vmem>>
    %dma_start3A_26 = tpu.memref_squeeze %dma_start3A_25 : memref<1x16x1024xf32, #tpu.memory_space<vmem>> -> memref<16x1024xf32, #tpu.memory_space<vmem>>
    %dma_start3A_27 = arith.constant 32 : i32
    %dma_start3A_28 = tpu.memref_slice %arg5[%dma_start3A_27] : memref<1024xi32, #tpu.memory_space<vmem>> -> memref<16xi32, #tpu.memory_space<vmem>>
    %dma_start3A_29 = arith.constant 0 : i32
    %dma_start3A_30 = arith.constant 0 : i32
    %dma_start3A_31 = tpu.memref_slice %arg3[%dma_start3A_29, %dma_start3A_30] : memref<8192x1024xf32, #tpu.memory_space<hbm>> -> memref<8192x1024xf32, #tpu.memory_space<hbm>>
    tpu.enqueue_indirect_dma source(%dma_start3A_31 : memref<8192x1024xf32, #tpu.memory_space<hbm>>) target(%dma_start3A_26 : memref<16x1024xf32, #tpu.memory_space<vmem>>) offsets(%dma_start3A_28 : memref<16xi32, #tpu.memory_space<vmem>>) semaphore(%arg9 : memref<!tpu.dma_semaphore, #tpu.memory_space<semaphore_mem>>)
    %dma_start3A_32 = arith.constant 3 : i32
    %dma_start3A_33 = arith.constant 0 : i32
    %dma_start3A_34 = arith.constant 0 : i32
    %dma_start3A_35 = tpu.memref_slice %arg6[%dma_start3A_32, %dma_start3A_33, %dma_start3A_34] : memref<4x16x1024xf32, #tpu.memory_space<vmem>> -> memref<1x16x1024xf32, #tpu.memory_space<vmem>>
    %dma_start3A_36 = tpu.memref_squeeze %dma_start3A_35 : memref<1x16x1024xf32, #tpu.memory_space<vmem>> -> memref<16x1024xf32, #tpu.memory_space<vmem>>
    %dma_start3A_37 = arith.constant 48 : i32
    %dma_start3A_38 = tpu.memref_slice %arg5[%dma_start3A_37] : memref<1024xi32, #tpu.memory_space<vmem>> -> memref<16xi32, #tpu.memory_space<vmem>>
    %dma_start3A_39 = arith.constant 0 : i32
    %dma_start3A_40 = arith.constant 0 : i32
    %dma_start3A_41 = tpu.memref_slice %arg3[%dma_start3A_39, %dma_start3A_40] : memref<8192x1024xf32, #tpu.memory_space<hbm>> -> memref<8192x1024xf32, #tpu.memory_space<hbm>>
    tpu.enqueue_indirect_dma source(%dma_start3A_41 : memref<8192x1024xf32, #tpu.memory_space<hbm>>) target(%dma_start3A_36 : memref<16x1024xf32, #tpu.memory_space<vmem>>) offsets(%dma_start3A_38 : memref<16xi32, #tpu.memory_space<vmem>>) semaphore(%arg10 : memref<!tpu.dma_semaphore, #tpu.memory_space<semaphore_mem>>)
    %scan3A = arith.constant 0 : i32
    %scan3A_42 = arith.constant 0 : i32
    %scan3A_43 = arith.constant 15 : i32
    %scan3A_44 = arith.addi %scan3A_42, %scan3A_43 : i32
    %scan3A_45 = arith.constant 1 : i32
    scf.for %scan3A_206 = %scan3A_42 to %scan3A_44 step %scan3A_45  : i32 {
      %mul3A_207 = arith.constant 4 : i32
      %mul3A_208 = arith.muli %scan3A_206, %mul3A_207 : i32
      %add3A_209 = arith.constant 0 : i32
      %add3A_210 = arith.addi %mul3A_208, %add3A_209 : i32
      %mul3A_211 = arith.constant 16 : i32
      %mul3A_212 = arith.muli %add3A_210, %mul3A_211 : i32
      %dma_wait3A_213 = arith.constant 0 : i32
      %dma_wait3A_214 = arith.constant 0 : i32
      %dma_wait3A_215 = arith.constant 0 : i32
      %dma_wait3A_216 = tpu.memref_slice %arg6[%dma_wait3A_213, %dma_wait3A_214, %dma_wait3A_215] : memref<4x16x1024xf32, #tpu.memory_space<vmem>> -> memref<1x16x1024xf32, #tpu.memory_space<vmem>>
      %dma_wait3A_217 = tpu.memref_squeeze %dma_wait3A_216 : memref<1x16x1024xf32, #tpu.memory_space<vmem>> -> memref<16x1024xf32, #tpu.memory_space<vmem>>
      %dma_wait3A_218 = tpu.memref_slice %arg5[%mul3A_212] : memref<1024xi32, #tpu.memory_space<vmem>> -> memref<16xi32, #tpu.memory_space<vmem>>
      %dma_wait3A_219 = arith.constant 0 : i32
      %dma_wait3A_220 = arith.constant 0 : i32
      %dma_wait3A_221 = tpu.memref_slice %arg3[%dma_wait3A_219, %dma_wait3A_220] : memref<8192x1024xf32, #tpu.memory_space<hbm>> -> memref<8192x1024xf32, #tpu.memory_space<hbm>>
      tpu.wait_indirect_dma semaphore(%arg7 : memref<!tpu.dma_semaphore, #tpu.memory_space<semaphore_mem>>) src(%dma_wait3A_221 : memref<8192x1024xf32, #tpu.memory_space<hbm>>) dst(%dma_wait3A_217 : memref<16x1024xf32, #tpu.memory_space<vmem>>)
      %mul3A_222 = arith.constant 16 : i32
      %mul3A_223 = arith.muli %add3A_210, %mul3A_222 : i32
      %add3A_224 = arith.addi %mul3A_2, %mul3A_223 : i32
      %dma_start3A_225 = arith.constant 0 : i32
      %dma_start3A_226 = arith.constant 0 : i32
      %dma_start3A_227 = arith.constant 0 : i32
      %dma_start3A_228 = tpu.memref_slice %arg6[%dma_start3A_225, %dma_start3A_226, %dma_start3A_227] : memref<4x16x1024xf32, #tpu.memory_space<vmem>> -> memref<1x16x1024xf32, #tpu.memory_space<vmem>>
      %dma_start3A_229 = tpu.memref_squeeze %dma_start3A_228 : memref<1x16x1024xf32, #tpu.memory_space<vmem>> -> memref<16x1024xf32, #tpu.memory_space<vmem>>
      %dma_start3A_230 = arith.constant 0 : i32
      %dma_start3A_231 = tpu.memref_slice %arg4[%add3A_224, %dma_start3A_230] : memref<32768x1024xf32, #tpu.memory_space<hbm>> -> memref<16x1024xf32, #tpu.memory_space<hbm>>
      %dma_start3A_232 = arith.constant 0 : i32
      %dma_start3A_233 = tpu.memref_slice %arg4[%add3A_224, %dma_start3A_232] : memref<32768x1024xf32, #tpu.memory_space<hbm>> -> memref<16x1024xf32, #tpu.memory_space<hbm>>
      %dma_start3A_234 = arith.constant 0 : i32
      %dma_start3A_235 = arith.constant 0 : i32
      %dma_start3A_236 = tpu.memref_slice %arg6[%dma_start3A_225, %dma_start3A_234, %dma_start3A_235] : memref<4x16x1024xf32, #tpu.memory_space<vmem>> -> memref<1x16x1024xf32, #tpu.memory_space<vmem>>
      %dma_start3A_237 = tpu.memref_squeeze %dma_start3A_236 : memref<1x16x1024xf32, #tpu.memory_space<vmem>> -> memref<16x1024xf32, #tpu.memory_space<vmem>>
      tpu.enqueue_dma source(%dma_start3A_237 : memref<16x1024xf32, #tpu.memory_space<vmem>>) target(%dma_start3A_233 : memref<16x1024xf32, #tpu.memory_space<hbm>>) target_semaphore(%arg11 : memref<!tpu.dma_semaphore, #tpu.memory_space<semaphore_mem>>)
      %mul3A_238 = arith.constant 16 : i32
      %mul3A_239 = arith.muli %add3A_210, %mul3A_238 : i32
      %add3A_240 = arith.addi %mul3A_2, %mul3A_239 : i32
      %dma_wait3A_241 = arith.constant 0 : i32
      %dma_wait3A_242 = arith.constant 0 : i32
      %dma_wait3A_243 = arith.constant 0 : i32
      %dma_wait3A_244 = tpu.memref_slice %arg6[%dma_wait3A_241, %dma_wait3A_242, %dma_wait3A_243] : memref<4x16x1024xf32, #tpu.memory_space<vmem>> -> memref<1x16x1024xf32, #tpu.memory_space<vmem>>
      %dma_wait3A_245 = tpu.memref_squeeze %dma_wait3A_244 : memref<1x16x1024xf32, #tpu.memory_space<vmem>> -> memref<16x1024xf32, #tpu.memory_space<vmem>>
      %dma_wait3A_246 = arith.constant 0 : i32
      %dma_wait3A_247 = tpu.memref_slice %arg4[%add3A_240, %dma_wait3A_246] : memref<32768x1024xf32, #tpu.memory_space<hbm>> -> memref<16x1024xf32, #tpu.memory_space<hbm>>
      %dma_wait3A_248 = arith.constant 0 : i32
      %dma_wait3A_249 = tpu.memref_slice %arg4[%add3A_240, %dma_wait3A_248] : memref<32768x1024xf32, #tpu.memory_space<hbm>> -> memref<16x1024xf32, #tpu.memory_space<hbm>>
      %dma_wait3A_250 = arith.constant 0 : i32
      %dma_wait3A_251 = arith.constant 0 : i32
      %dma_wait3A_252 = tpu.memref_slice %arg6[%dma_wait3A_241, %dma_wait3A_250, %dma_wait3A_251] : memref<4x16x1024xf32, #tpu.memory_space<vmem>> -> memref<1x16x1024xf32, #tpu.memory_space<vmem>>
      %dma_wait3A_253 = tpu.memref_squeeze %dma_wait3A_252 : memref<1x16x1024xf32, #tpu.memory_space<vmem>> -> memref<16x1024xf32, #tpu.memory_space<vmem>>
      tpu.wait_dma2 semaphore(%arg11 : memref<!tpu.dma_semaphore, #tpu.memory_space<semaphore_mem>>) src(%dma_wait3A_253 : memref<16x1024xf32, #tpu.memory_space<vmem>>) dst(%dma_wait3A_249 : memref<16x1024xf32, #tpu.memory_space<hbm>>)
      %add3A_254 = arith.constant 4 : i32
      %add3A_255 = arith.addi %add3A_210, %add3A_254 : i32
      %mul3A_256 = arith.constant 16 : i32
      %mul3A_257 = arith.muli %add3A_255, %mul3A_256 : i32
      %dma_start3A_258 = arith.constant 0 : i32
      %dma_start3A_259 = arith.constant 0 : i32
      %dma_start3A_260 = arith.constant 0 : i32
      %dma_start3A_261 = tpu.memref_slice %arg6[%dma_start3A_258, %dma_start3A_259, %dma_start3A_260] : memref<4x16x1024xf32, #tpu.memory_space<vmem>> -> memref<1x16x1024xf32, #tpu.memory_space<vmem>>
      %dma_start3A_262 = tpu.memref_squeeze %dma_start3A_261 : memref<1x16x1024xf32, #tpu.memory_space<vmem>> -> memref<16x1024xf32, #tpu.memory_space<vmem>>
      %dma_start3A_263 = tpu.memref_slice %arg5[%mul3A_257] : memref<1024xi32, #tpu.memory_space<vmem>> -> memref<16xi32, #tpu.memory_space<vmem>>
      %dma_start3A_264 = arith.constant 0 : i32
      %dma_start3A_265 = arith.constant 0 : i32
      %dma_start3A_266 = tpu.memref_slice %arg3[%dma_start3A_264, %dma_start3A_265] : memref<8192x1024xf32, #tpu.memory_space<hbm>> -> memref<8192x1024xf32, #tpu.memory_space<hbm>>
      tpu.enqueue_indirect_dma source(%dma_start3A_266 : memref<8192x1024xf32, #tpu.memory_space<hbm>>) target(%dma_start3A_262 : memref<16x1024xf32, #tpu.memory_space<vmem>>) offsets(%dma_start3A_263 : memref<16xi32, #tpu.memory_space<vmem>>) semaphore(%arg7 : memref<!tpu.dma_semaphore, #tpu.memory_space<semaphore_mem>>)
      %mul3A_267 = arith.constant 4 : i32
      %mul3A_268 = arith.muli %scan3A_206, %mul3A_267 : i32
      %add3A_269 = arith.constant 1 : i32
      %add3A_270 = arith.addi %mul3A_268, %add3A_269 : i32
      %mul3A_271 = arith.constant 16 : i32
      %mul3A_272 = arith.muli %add3A_270, %mul3A_271 : i32
      %dma_wait3A_273 = arith.constant 1 : i32
      %dma_wait3A_274 = arith.constant 0 : i32
      %dma_wait3A_275 = arith.constant 0 : i32
      %dma_wait3A_276 = tpu.memref_slice %arg6[%dma_wait3A_273, %dma_wait3A_274, %dma_wait3A_275] : memref<4x16x1024xf32, #tpu.memory_space<vmem>> -> memref<1x16x1024xf32, #tpu.memory_space<vmem>>
      %dma_wait3A_277 = tpu.memref_squeeze %dma_wait3A_276 : memref<1x16x1024xf32, #tpu.memory_space<vmem>> -> memref<16x1024xf32, #tpu.memory_space<vmem>>
      %dma_wait3A_278 = tpu.memref_slice %arg5[%mul3A_272] : memref<1024xi32, #tpu.memory_space<vmem>> -> memref<16xi32, #tpu.memory_space<vmem>>
      %dma_wait3A_279 = arith.constant 0 : i32
      %dma_wait3A_280 = arith.constant 0 : i32
      %dma_wait3A_281 = tpu.memref_slice %arg3[%dma_wait3A_279, %dma_wait3A_280] : memref<8192x1024xf32, #tpu.memory_space<hbm>> -> memref<8192x1024xf32, #tpu.memory_space<hbm>>
      tpu.wait_indirect_dma semaphore(%arg8 : memref<!tpu.dma_semaphore, #tpu.memory_space<semaphore_mem>>) src(%dma_wait3A_281 : memref<8192x1024xf32, #tpu.memory_space<hbm>>) dst(%dma_wait3A_277 : memref<16x1024xf32, #tpu.memory_space<vmem>>)
      %mul3A_282 = arith.constant 16 : i32
      %mul3A_283 = arith.muli %add3A_270, %mul3A_282 : i32
      %add3A_284 = arith.addi %mul3A_2, %mul3A_283 : i32
      %dma_start3A_285 = arith.constant 1 : i32
      %dma_start3A_286 = arith.constant 0 : i32
      %dma_start3A_287 = arith.constant 0 : i32
      %dma_start3A_288 = tpu.memref_slice %arg6[%dma_start3A_285, %dma_start3A_286, %dma_start3A_287] : memref<4x16x1024xf32, #tpu.memory_space<vmem>> -> memref<1x16x1024xf32, #tpu.memory_space<vmem>>
      %dma_start3A_289 = tpu.memref_squeeze %dma_start3A_288 : memref<1x16x1024xf32, #tpu.memory_space<vmem>> -> memref<16x1024xf32, #tpu.memory_space<vmem>>
      %dma_start3A_290 = arith.constant 0 : i32
      %dma_start3A_291 = tpu.memref_slice %arg4[%add3A_284, %dma_start3A_290] : memref<32768x1024xf32, #tpu.memory_space<hbm>> -> memref<16x1024xf32, #tpu.memory_space<hbm>>
      %dma_start3A_292 = arith.constant 0 : i32
      %dma_start3A_293 = tpu.memref_slice %arg4[%add3A_284, %dma_start3A_292] : memref<32768x1024xf32, #tpu.memory_space<hbm>> -> memref<16x1024xf32, #tpu.memory_space<hbm>>
      %dma_start3A_294 = arith.constant 0 : i32
      %dma_start3A_295 = arith.constant 0 : i32
      %dma_start3A_296 = tpu.memref_slice %arg6[%dma_start3A_285, %dma_start3A_294, %dma_start3A_295] : memref<4x16x1024xf32, #tpu.memory_space<vmem>> -> memref<1x16x1024xf32, #tpu.memory_space<vmem>>
      %dma_start3A_297 = tpu.memref_squeeze %dma_start3A_296 : memref<1x16x1024xf32, #tpu.memory_space<vmem>> -> memref<16x1024xf32, #tpu.memory_space<vmem>>
      tpu.enqueue_dma source(%dma_start3A_297 : memref<16x1024xf32, #tpu.memory_space<vmem>>) target(%dma_start3A_293 : memref<16x1024xf32, #tpu.memory_space<hbm>>) target_semaphore(%arg12 : memref<!tpu.dma_semaphore, #tpu.memory_space<semaphore_mem>>)
      %mul3A_298 = arith.constant 16 : i32
      %mul3A_299 = arith.muli %add3A_270, %mul3A_298 : i32
      %add3A_300 = arith.addi %mul3A_2, %mul3A_299 : i32
      %dma_wait3A_301 = arith.constant 1 : i32
      %dma_wait3A_302 = arith.constant 0 : i32
      %dma_wait3A_303 = arith.constant 0 : i32
      %dma_wait3A_304 = tpu.memref_slice %arg6[%dma_wait3A_301, %dma_wait3A_302, %dma_wait3A_303] : memref<4x16x1024xf32, #tpu.memory_space<vmem>> -> memref<1x16x1024xf32, #tpu.memory_space<vmem>>
      %dma_wait3A_305 = tpu.memref_squeeze %dma_wait3A_304 : memref<1x16x1024xf32, #tpu.memory_space<vmem>> -> memref<16x1024xf32, #tpu.memory_space<vmem>>
      %dma_wait3A_306 = arith.constant 0 : i32
      %dma_wait3A_307 = tpu.memref_slice %arg4[%add3A_300, %dma_wait3A_306] : memref<32768x1024xf32, #tpu.memory_space<hbm>> -> memref<16x1024xf32, #tpu.memory_space<hbm>>
      %dma_wait3A_308 = arith.constant 0 : i32
      %dma_wait3A_309 = tpu.memref_slice %arg4[%add3A_300, %dma_wait3A_308] : memref<32768x1024xf32, #tpu.memory_space<hbm>> -> memref<16x1024xf32, #tpu.memory_space<hbm>>
      %dma_wait3A_310 = arith.constant 0 : i32
      %dma_wait3A_311 = arith.constant 0 : i32
      %dma_wait3A_312 = tpu.memref_slice %arg6[%dma_wait3A_301, %dma_wait3A_310, %dma_wait3A_311] : memref<4x16x1024xf32, #tpu.memory_space<vmem>> -> memref<1x16x1024xf32, #tpu.memory_space<vmem>>
      %dma_wait3A_313 = tpu.memref_squeeze %dma_wait3A_312 : memref<1x16x1024xf32, #tpu.memory_space<vmem>> -> memref<16x1024xf32, #tpu.memory_space<vmem>>
      tpu.wait_dma2 semaphore(%arg12 : memref<!tpu.dma_semaphore, #tpu.memory_space<semaphore_mem>>) src(%dma_wait3A_313 : memref<16x1024xf32, #tpu.memory_space<vmem>>) dst(%dma_wait3A_309 : memref<16x1024xf32, #tpu.memory_space<hbm>>)
      %add3A_314 = arith.constant 4 : i32
      %add3A_315 = arith.addi %add3A_270, %add3A_314 : i32
      %mul3A_316 = arith.constant 16 : i32
      %mul3A_317 = arith.muli %add3A_315, %mul3A_316 : i32
      %dma_start3A_318 = arith.constant 1 : i32
      %dma_start3A_319 = arith.constant 0 : i32
      %dma_start3A_320 = arith.constant 0 : i32
      %dma_start3A_321 = tpu.memref_slice %arg6[%dma_start3A_318, %dma_start3A_319, %dma_start3A_320] : memref<4x16x1024xf32, #tpu.memory_space<vmem>> -> memref<1x16x1024xf32, #tpu.memory_space<vmem>>
      %dma_start3A_322 = tpu.memref_squeeze %dma_start3A_321 : memref<1x16x1024xf32, #tpu.memory_space<vmem>> -> memref<16x1024xf32, #tpu.memory_space<vmem>>
      %dma_start3A_323 = tpu.memref_slice %arg5[%mul3A_317] : memref<1024xi32, #tpu.memory_space<vmem>> -> memref<16xi32, #tpu.memory_space<vmem>>
      %dma_start3A_324 = arith.constant 0 : i32
      %dma_start3A_325 = arith.constant 0 : i32
      %dma_start3A_326 = tpu.memref_slice %arg3[%dma_start3A_324, %dma_start3A_325] : memref<8192x1024xf32, #tpu.memory_space<hbm>> -> memref<8192x1024xf32, #tpu.memory_space<hbm>>
      tpu.enqueue_indirect_dma source(%dma_start3A_326 : memref<8192x1024xf32, #tpu.memory_space<hbm>>) target(%dma_start3A_322 : memref<16x1024xf32, #tpu.memory_space<vmem>>) offsets(%dma_start3A_323 : memref<16xi32, #tpu.memory_space<vmem>>) semaphore(%arg8 : memref<!tpu.dma_semaphore, #tpu.memory_space<semaphore_mem>>)
      %mul3A_327 = arith.constant 4 : i32
      %mul3A_328 = arith.muli %scan3A_206, %mul3A_327 : i32
      %add3A_329 = arith.constant 2 : i32
      %add3A_330 = arith.addi %mul3A_328, %add3A_329 : i32
      %mul3A_331 = arith.constant 16 : i32
      %mul3A_332 = arith.muli %add3A_330, %mul3A_331 : i32
      %dma_wait3A_333 = arith.constant 2 : i32
      %dma_wait3A_334 = arith.constant 0 : i32
      %dma_wait3A_335 = arith.constant 0 : i32
      %dma_wait3A_336 = tpu.memref_slice %arg6[%dma_wait3A_333, %dma_wait3A_334, %dma_wait3A_335] : memref<4x16x1024xf32, #tpu.memory_space<vmem>> -> memref<1x16x1024xf32, #tpu.memory_space<vmem>>
      %dma_wait3A_337 = tpu.memref_squeeze %dma_wait3A_336 : memref<1x16x1024xf32, #tpu.memory_space<vmem>> -> memref<16x1024xf32, #tpu.memory_space<vmem>>
      %dma_wait3A_338 = tpu.memref_slice %arg5[%mul3A_332] : memref<1024xi32, #tpu.memory_space<vmem>> -> memref<16xi32, #tpu.memory_space<vmem>>
      %dma_wait3A_339 = arith.constant 0 : i32
      %dma_wait3A_340 = arith.constant 0 : i32
      %dma_wait3A_341 = tpu.memref_slice %arg3[%dma_wait3A_339, %dma_wait3A_340] : memref<8192x1024xf32, #tpu.memory_space<hbm>> -> memref<8192x1024xf32, #tpu.memory_space<hbm>>
      tpu.wait_indirect_dma semaphore(%arg9 : memref<!tpu.dma_semaphore, #tpu.memory_space<semaphore_mem>>) src(%dma_wait3A_341 : memref<8192x1024xf32, #tpu.memory_space<hbm>>) dst(%dma_wait3A_337 : memref<16x1024xf32, #tpu.memory_space<vmem>>)
      %mul3A_342 = arith.constant 16 : i32
      %mul3A_343 = arith.muli %add3A_330, %mul3A_342 : i32
      %add3A_344 = arith.addi %mul3A_2, %mul3A_343 : i32
      %dma_start3A_345 = arith.constant 2 : i32
      %dma_start3A_346 = arith.constant 0 : i32
      %dma_start3A_347 = arith.constant 0 : i32
      %dma_start3A_348 = tpu.memref_slice %arg6[%dma_start3A_345, %dma_start3A_346, %dma_start3A_347] : memref<4x16x1024xf32, #tpu.memory_space<vmem>> -> memref<1x16x1024xf32, #tpu.memory_space<vmem>>
      %dma_start3A_349 = tpu.memref_squeeze %dma_start3A_348 : memref<1x16x1024xf32, #tpu.memory_space<vmem>> -> memref<16x1024xf32, #tpu.memory_space<vmem>>
      %dma_start3A_350 = arith.constant 0 : i32
      %dma_start3A_351 = tpu.memref_slice %arg4[%add3A_344, %dma_start3A_350] : memref<32768x1024xf32, #tpu.memory_space<hbm>> -> memref<16x1024xf32, #tpu.memory_space<hbm>>
      %dma_start3A_352 = arith.constant 0 : i32
      %dma_start3A_353 = tpu.memref_slice %arg4[%add3A_344, %dma_start3A_352] : memref<32768x1024xf32, #tpu.memory_space<hbm>> -> memref<16x1024xf32, #tpu.memory_space<hbm>>
      %dma_start3A_354 = arith.constant 0 : i32
      %dma_start3A_355 = arith.constant 0 : i32
      %dma_start3A_356 = tpu.memref_slice %arg6[%dma_start3A_345, %dma_start3A_354, %dma_start3A_355] : memref<4x16x1024xf32, #tpu.memory_space<vmem>> -> memref<1x16x1024xf32, #tpu.memory_space<vmem>>
      %dma_start3A_357 = tpu.memref_squeeze %dma_start3A_356 : memref<1x16x1024xf32, #tpu.memory_space<vmem>> -> memref<16x1024xf32, #tpu.memory_space<vmem>>
      tpu.enqueue_dma source(%dma_start3A_357 : memref<16x1024xf32, #tpu.memory_space<vmem>>) target(%dma_start3A_353 : memref<16x1024xf32, #tpu.memory_space<hbm>>) target_semaphore(%arg13 : memref<!tpu.dma_semaphore, #tpu.memory_space<semaphore_mem>>)
      %mul3A_358 = arith.constant 16 : i32
      %mul3A_359 = arith.muli %add3A_330, %mul3A_358 : i32
      %add3A_360 = arith.addi %mul3A_2, %mul3A_359 : i32
      %dma_wait3A_361 = arith.constant 2 : i32
      %dma_wait3A_362 = arith.constant 0 : i32
      %dma_wait3A_363 = arith.constant 0 : i32
      %dma_wait3A_364 = tpu.memref_slice %arg6[%dma_wait3A_361, %dma_wait3A_362, %dma_wait3A_363] : memref<4x16x1024xf32, #tpu.memory_space<vmem>> -> memref<1x16x1024xf32, #tpu.memory_space<vmem>>
      %dma_wait3A_365 = tpu.memref_squeeze %dma_wait3A_364 : memref<1x16x1024xf32, #tpu.memory_space<vmem>> -> memref<16x1024xf32, #tpu.memory_space<vmem>>
      %dma_wait3A_366 = arith.constant 0 : i32
      %dma_wait3A_367 = tpu.memref_slice %arg4[%add3A_360, %dma_wait3A_366] : memref<32768x1024xf32, #tpu.memory_space<hbm>> -> memref<16x1024xf32, #tpu.memory_space<hbm>>
      %dma_wait3A_368 = arith.constant 0 : i32
      %dma_wait3A_369 = tpu.memref_slice %arg4[%add3A_360, %dma_wait3A_368] : memref<32768x1024xf32, #tpu.memory_space<hbm>> -> memref<16x1024xf32, #tpu.memory_space<hbm>>
      %dma_wait3A_370 = arith.constant 0 : i32
      %dma_wait3A_371 = arith.constant 0 : i32
      %dma_wait3A_372 = tpu.memref_slice %arg6[%dma_wait3A_361, %dma_wait3A_370, %dma_wait3A_371] : memref<4x16x1024xf32, #tpu.memory_space<vmem>> -> memref<1x16x1024xf32, #tpu.memory_space<vmem>>
      %dma_wait3A_373 = tpu.memref_squeeze %dma_wait3A_372 : memref<1x16x1024xf32, #tpu.memory_space<vmem>> -> memref<16x1024xf32, #tpu.memory_space<vmem>>
      tpu.wait_dma2 semaphore(%arg13 : memref<!tpu.dma_semaphore, #tpu.memory_space<semaphore_mem>>) src(%dma_wait3A_373 : memref<16x1024xf32, #tpu.memory_space<vmem>>) dst(%dma_wait3A_369 : memref<16x1024xf32, #tpu.memory_space<hbm>>)
      %add3A_374 = arith.constant 4 : i32
      %add3A_375 = arith.addi %add3A_330, %add3A_374 : i32
      %mul3A_376 = arith.constant 16 : i32
      %mul3A_377 = arith.muli %add3A_375, %mul3A_376 : i32
      %dma_start3A_378 = arith.constant 2 : i32
      %dma_start3A_379 = arith.constant 0 : i32
      %dma_start3A_380 = arith.constant 0 : i32
      %dma_start3A_381 = tpu.memref_slice %arg6[%dma_start3A_378, %dma_start3A_379, %dma_start3A_380] : memref<4x16x1024xf32, #tpu.memory_space<vmem>> -> memref<1x16x1024xf32, #tpu.memory_space<vmem>>
      %dma_start3A_382 = tpu.memref_squeeze %dma_start3A_381 : memref<1x16x1024xf32, #tpu.memory_space<vmem>> -> memref<16x1024xf32, #tpu.memory_space<vmem>>
      %dma_start3A_383 = tpu.memref_slice %arg5[%mul3A_377] : memref<1024xi32, #tpu.memory_space<vmem>> -> memref<16xi32, #tpu.memory_space<vmem>>
      %dma_start3A_384 = arith.constant 0 : i32
      %dma_start3A_385 = arith.constant 0 : i32
      %dma_start3A_386 = tpu.memref_slice %arg3[%dma_start3A_384, %dma_start3A_385] : memref<8192x1024xf32, #tpu.memory_space<hbm>> -> memref<8192x1024xf32, #tpu.memory_space<hbm>>
      tpu.enqueue_indirect_dma source(%dma_start3A_386 : memref<8192x1024xf32, #tpu.memory_space<hbm>>) target(%dma_start3A_382 : memref<16x1024xf32, #tpu.memory_space<vmem>>) offsets(%dma_start3A_383 : memref<16xi32, #tpu.memory_space<vmem>>) semaphore(%arg9 : memref<!tpu.dma_semaphore, #tpu.memory_space<semaphore_mem>>)
      %mul3A_387 = arith.constant 4 : i32
      %mul3A_388 = arith.muli %scan3A_206, %mul3A_387 : i32
      %add3A_389 = arith.constant 3 : i32
      %add3A_390 = arith.addi %mul3A_388, %add3A_389 : i32
      %mul3A_391 = arith.constant 16 : i32
      %mul3A_392 = arith.muli %add3A_390, %mul3A_391 : i32
      %dma_wait3A_393 = arith.constant 3 : i32
      %dma_wait3A_394 = arith.constant 0 : i32
      %dma_wait3A_395 = arith.constant 0 : i32
      %dma_wait3A_396 = tpu.memref_slice %arg6[%dma_wait3A_393, %dma_wait3A_394, %dma_wait3A_395] : memref<4x16x1024xf32, #tpu.memory_space<vmem>> -> memref<1x16x1024xf32, #tpu.memory_space<vmem>>
      %dma_wait3A_397 = tpu.memref_squeeze %dma_wait3A_396 : memref<1x16x1024xf32, #tpu.memory_space<vmem>> -> memref<16x1024xf32, #tpu.memory_space<vmem>>
      %dma_wait3A_398 = tpu.memref_slice %arg5[%mul3A_392] : memref<1024xi32, #tpu.memory_space<vmem>> -> memref<16xi32, #tpu.memory_space<vmem>>
      %dma_wait3A_399 = arith.constant 0 : i32
      %dma_wait3A_400 = arith.constant 0 : i32
      %dma_wait3A_401 = tpu.memref_slice %arg3[%dma_wait3A_399, %dma_wait3A_400] : memref<8192x1024xf32, #tpu.memory_space<hbm>> -> memref<8192x1024xf32, #tpu.memory_space<hbm>>
      tpu.wait_indirect_dma semaphore(%arg10 : memref<!tpu.dma_semaphore, #tpu.memory_space<semaphore_mem>>) src(%dma_wait3A_401 : memref<8192x1024xf32, #tpu.memory_space<hbm>>) dst(%dma_wait3A_397 : memref<16x1024xf32, #tpu.memory_space<vmem>>)
      %mul3A_402 = arith.constant 16 : i32
      %mul3A_403 = arith.muli %add3A_390, %mul3A_402 : i32
      %add3A_404 = arith.addi %mul3A_2, %mul3A_403 : i32
      %dma_start3A_405 = arith.constant 3 : i32
      %dma_start3A_406 = arith.constant 0 : i32
      %dma_start3A_407 = arith.constant 0 : i32
      %dma_start3A_408 = tpu.memref_slice %arg6[%dma_start3A_405, %dma_start3A_406, %dma_start3A_407] : memref<4x16x1024xf32, #tpu.memory_space<vmem>> -> memref<1x16x1024xf32, #tpu.memory_space<vmem>>
      %dma_start3A_409 = tpu.memref_squeeze %dma_start3A_408 : memref<1x16x1024xf32, #tpu.memory_space<vmem>> -> memref<16x1024xf32, #tpu.memory_space<vmem>>
      %dma_start3A_410 = arith.constant 0 : i32
      %dma_start3A_411 = tpu.memref_slice %arg4[%add3A_404, %dma_start3A_410] : memref<32768x1024xf32, #tpu.memory_space<hbm>> -> memref<16x1024xf32, #tpu.memory_space<hbm>>
      %dma_start3A_412 = arith.constant 0 : i32
      %dma_start3A_413 = tpu.memref_slice %arg4[%add3A_404, %dma_start3A_412] : memref<32768x1024xf32, #tpu.memory_space<hbm>> -> memref<16x1024xf32, #tpu.memory_space<hbm>>
      %dma_start3A_414 = arith.constant 0 : i32
      %dma_start3A_415 = arith.constant 0 : i32
      %dma_start3A_416 = tpu.memref_slice %arg6[%dma_start3A_405, %dma_start3A_414, %dma_start3A_415] : memref<4x16x1024xf32, #tpu.memory_space<vmem>> -> memref<1x16x1024xf32, #tpu.memory_space<vmem>>
      %dma_start3A_417 = tpu.memref_squeeze %dma_start3A_416 : memref<1x16x1024xf32, #tpu.memory_space<vmem>> -> memref<16x1024xf32, #tpu.memory_space<vmem>>
      tpu.enqueue_dma source(%dma_start3A_417 : memref<16x1024xf32, #tpu.memory_space<vmem>>) target(%dma_start3A_413 : memref<16x1024xf32, #tpu.memory_space<hbm>>) target_semaphore(%arg14 : memref<!tpu.dma_semaphore, #tpu.memory_space<semaphore_mem>>)
      %mul3A_418 = arith.constant 16 : i32
      %mul3A_419 = arith.muli %add3A_390, %mul3A_418 : i32
      %add3A_420 = arith.addi %mul3A_2, %mul3A_419 : i32
      %dma_wait3A_421 = arith.constant 3 : i32
      %dma_wait3A_422 = arith.constant 0 : i32
      %dma_wait3A_423 = arith.constant 0 : i32
      %dma_wait3A_424 = tpu.memref_slice %arg6[%dma_wait3A_421, %dma_wait3A_422, %dma_wait3A_423] : memref<4x16x1024xf32, #tpu.memory_space<vmem>> -> memref<1x16x1024xf32, #tpu.memory_space<vmem>>
      %dma_wait3A_425 = tpu.memref_squeeze %dma_wait3A_424 : memref<1x16x1024xf32, #tpu.memory_space<vmem>> -> memref<16x1024xf32, #tpu.memory_space<vmem>>
      %dma_wait3A_426 = arith.constant 0 : i32
      %dma_wait3A_427 = tpu.memref_slice %arg4[%add3A_420, %dma_wait3A_426] : memref<32768x1024xf32, #tpu.memory_space<hbm>> -> memref<16x1024xf32, #tpu.memory_space<hbm>>
      %dma_wait3A_428 = arith.constant 0 : i32
      %dma_wait3A_429 = tpu.memref_slice %arg4[%add3A_420, %dma_wait3A_428] : memref<32768x1024xf32, #tpu.memory_space<hbm>> -> memref<16x1024xf32, #tpu.memory_space<hbm>>
      %dma_wait3A_430 = arith.constant 0 : i32
      %dma_wait3A_431 = arith.constant 0 : i32
      %dma_wait3A_432 = tpu.memref_slice %arg6[%dma_wait3A_421, %dma_wait3A_430, %dma_wait3A_431] : memref<4x16x1024xf32, #tpu.memory_space<vmem>> -> memref<1x16x1024xf32, #tpu.memory_space<vmem>>
      %dma_wait3A_433 = tpu.memref_squeeze %dma_wait3A_432 : memref<1x16x1024xf32, #tpu.memory_space<vmem>> -> memref<16x1024xf32, #tpu.memory_space<vmem>>
      tpu.wait_dma2 semaphore(%arg14 : memref<!tpu.dma_semaphore, #tpu.memory_space<semaphore_mem>>) src(%dma_wait3A_433 : memref<16x1024xf32, #tpu.memory_space<vmem>>) dst(%dma_wait3A_429 : memref<16x1024xf32, #tpu.memory_space<hbm>>)
      %add3A_434 = arith.constant 4 : i32
      %add3A_435 = arith.addi %add3A_390, %add3A_434 : i32
      %mul3A_436 = arith.constant 16 : i32
      %mul3A_437 = arith.muli %add3A_435, %mul3A_436 : i32
      %dma_start3A_438 = arith.constant 3 : i32
      %dma_start3A_439 = arith.constant 0 : i32
      %dma_start3A_440 = arith.constant 0 : i32
      %dma_start3A_441 = tpu.memref_slice %arg6[%dma_start3A_438, %dma_start3A_439, %dma_start3A_440] : memref<4x16x1024xf32, #tpu.memory_space<vmem>> -> memref<1x16x1024xf32, #tpu.memory_space<vmem>>
      %dma_start3A_442 = tpu.memref_squeeze %dma_start3A_441 : memref<1x16x1024xf32, #tpu.memory_space<vmem>> -> memref<16x1024xf32, #tpu.memory_space<vmem>>
      %dma_start3A_443 = tpu.memref_slice %arg5[%mul3A_437] : memref<1024xi32, #tpu.memory_space<vmem>> -> memref<16xi32, #tpu.memory_space<vmem>>
      %dma_start3A_444 = arith.constant 0 : i32
      %dma_start3A_445 = arith.constant 0 : i32
      %dma_start3A_446 = tpu.memref_slice %arg3[%dma_start3A_444, %dma_start3A_445] : memref<8192x1024xf32, #tpu.memory_space<hbm>> -> memref<8192x1024xf32, #tpu.memory_space<hbm>>
      tpu.enqueue_indirect_dma source(%dma_start3A_446 : memref<8192x1024xf32, #tpu.memory_space<hbm>>) target(%dma_start3A_442 : memref<16x1024xf32, #tpu.memory_space<vmem>>) offsets(%dma_start3A_443 : memref<16xi32, #tpu.memory_space<vmem>>) semaphore(%arg10 : memref<!tpu.dma_semaphore, #tpu.memory_space<semaphore_mem>>)
    }
    %scan3A_46 = arith.constant 15 : i32
    %dma_wait3A = arith.constant 0 : i32
    %dma_wait3A_47 = arith.constant 0 : i32
    %dma_wait3A_48 = arith.constant 0 : i32
    %dma_wait3A_49 = tpu.memref_slice %arg6[%dma_wait3A, %dma_wait3A_47, %dma_wait3A_48] : memref<4x16x1024xf32, #tpu.memory_space<vmem>> -> memref<1x16x1024xf32, #tpu.memory_space<vmem>>
    %dma_wait3A_50 = tpu.memref_squeeze %dma_wait3A_49 : memref<1x16x1024xf32, #tpu.memory_space<vmem>> -> memref<16x1024xf32, #tpu.memory_space<vmem>>
    %dma_wait3A_51 = arith.constant 960 : i32
    %dma_wait3A_52 = tpu.memref_slice %arg5[%dma_wait3A_51] : memref<1024xi32, #tpu.memory_space<vmem>> -> memref<16xi32, #tpu.memory_space<vmem>>
    %dma_wait3A_53 = arith.constant 0 : i32
    %dma_wait3A_54 = arith.constant 0 : i32
    %dma_wait3A_55 = tpu.memref_slice %arg3[%dma_wait3A_53, %dma_wait3A_54] : memref<8192x1024xf32, #tpu.memory_space<hbm>> -> memref<8192x1024xf32, #tpu.memory_space<hbm>>
    tpu.wait_indirect_dma semaphore(%arg7 : memref<!tpu.dma_semaphore, #tpu.memory_space<semaphore_mem>>) src(%dma_wait3A_55 : memref<8192x1024xf32, #tpu.memory_space<hbm>>) dst(%dma_wait3A_50 : memref<16x1024xf32, #tpu.memory_space<vmem>>)
    %add3A_56 = arith.constant 960 : i32
    %add3A_57 = arith.addi %mul3A_2, %add3A_56 : i32
    %dma_start3A_58 = arith.constant 0 : i32
    %dma_start3A_59 = arith.constant 0 : i32
    %dma_start3A_60 = arith.constant 0 : i32
    %dma_start3A_61 = tpu.memref_slice %arg6[%dma_start3A_58, %dma_start3A_59, %dma_start3A_60] : memref<4x16x1024xf32, #tpu.memory_space<vmem>> -> memref<1x16x1024xf32, #tpu.memory_space<vmem>>
    %dma_start3A_62 = tpu.memref_squeeze %dma_start3A_61 : memref<1x16x1024xf32, #tpu.memory_space<vmem>> -> memref<16x1024xf32, #tpu.memory_space<vmem>>
    %dma_start3A_63 = arith.constant 0 : i32
    %dma_start3A_64 = tpu.memref_slice %arg4[%add3A_57, %dma_start3A_63] : memref<32768x1024xf32, #tpu.memory_space<hbm>> -> memref<16x1024xf32, #tpu.memory_space<hbm>>
    %dma_start3A_65 = arith.constant 0 : i32
    %dma_start3A_66 = tpu.memref_slice %arg4[%add3A_57, %dma_start3A_65] : memref<32768x1024xf32, #tpu.memory_space<hbm>> -> memref<16x1024xf32, #tpu.memory_space<hbm>>
    %dma_start3A_67 = arith.constant 0 : i32
    %dma_start3A_68 = arith.constant 0 : i32
    %dma_start3A_69 = tpu.memref_slice %arg6[%dma_start3A_58, %dma_start3A_67, %dma_start3A_68] : memref<4x16x1024xf32, #tpu.memory_space<vmem>> -> memref<1x16x1024xf32, #tpu.memory_space<vmem>>
    %dma_start3A_70 = tpu.memref_squeeze %dma_start3A_69 : memref<1x16x1024xf32, #tpu.memory_space<vmem>> -> memref<16x1024xf32, #tpu.memory_space<vmem>>
    tpu.enqueue_dma source(%dma_start3A_70 : memref<16x1024xf32, #tpu.memory_space<vmem>>) target(%dma_start3A_66 : memref<16x1024xf32, #tpu.memory_space<hbm>>) target_semaphore(%arg11 : memref<!tpu.dma_semaphore, #tpu.memory_space<semaphore_mem>>)
    %add3A_71 = arith.constant 960 : i32
    %add3A_72 = arith.addi %mul3A_2, %add3A_71 : i32
    %dma_wait3A_73 = arith.constant 0 : i32
    %dma_wait3A_74 = arith.constant 0 : i32
    %dma_wait3A_75 = arith.constant 0 : i32
    %dma_wait3A_76 = tpu.memref_slice %arg6[%dma_wait3A_73, %dma_wait3A_74, %dma_wait3A_75] : memref<4x16x1024xf32, #tpu.memory_space<vmem>> -> memref<1x16x1024xf32, #tpu.memory_space<vmem>>
    %dma_wait3A_77 = tpu.memref_squeeze %dma_wait3A_76 : memref<1x16x1024xf32, #tpu.memory_space<vmem>> -> memref<16x1024xf32, #tpu.memory_space<vmem>>
    %dma_wait3A_78 = arith.constant 0 : i32
    %dma_wait3A_79 = tpu.memref_slice %arg4[%add3A_72, %dma_wait3A_78] : memref<32768x1024xf32, #tpu.memory_space<hbm>> -> memref<16x1024xf32, #tpu.memory_space<hbm>>
    %dma_wait3A_80 = arith.constant 0 : i32
    %dma_wait3A_81 = tpu.memref_slice %arg4[%add3A_72, %dma_wait3A_80] : memref<32768x1024xf32, #tpu.memory_space<hbm>> -> memref<16x1024xf32, #tpu.memory_space<hbm>>
    %dma_wait3A_82 = arith.constant 0 : i32
    %dma_wait3A_83 = arith.constant 0 : i32
    %dma_wait3A_84 = tpu.memref_slice %arg6[%dma_wait3A_73, %dma_wait3A_82, %dma_wait3A_83] : memref<4x16x1024xf32, #tpu.memory_space<vmem>> -> memref<1x16x1024xf32, #tpu.memory_space<vmem>>
    %dma_wait3A_85 = tpu.memref_squeeze %dma_wait3A_84 : memref<1x16x1024xf32, #tpu.memory_space<vmem>> -> memref<16x1024xf32, #tpu.memory_space<vmem>>
    tpu.wait_dma2 semaphore(%arg11 : memref<!tpu.dma_semaphore, #tpu.memory_space<semaphore_mem>>) src(%dma_wait3A_85 : memref<16x1024xf32, #tpu.memory_space<vmem>>) dst(%dma_wait3A_81 : memref<16x1024xf32, #tpu.memory_space<hbm>>)
    %dma_wait3A_86 = arith.constant 1 : i32
    %dma_wait3A_87 = arith.constant 0 : i32
    %dma_wait3A_88 = arith.constant 0 : i32
    %dma_wait3A_89 = tpu.memref_slice %arg6[%dma_wait3A_86, %dma_wait3A_87, %dma_wait3A_88] : memref<4x16x1024xf32, #tpu.memory_space<vmem>> -> memref<1x16x1024xf32, #tpu.memory_space<vmem>>
    %dma_wait3A_90 = tpu.memref_squeeze %dma_wait3A_89 : memref<1x16x1024xf32, #tpu.memory_space<vmem>> -> memref<16x1024xf32, #tpu.memory_space<vmem>>
    %dma_wait3A_91 = arith.constant 976 : i32
    %dma_wait3A_92 = tpu.memref_slice %arg5[%dma_wait3A_91] : memref<1024xi32, #tpu.memory_space<vmem>> -> memref<16xi32, #tpu.memory_space<vmem>>
    %dma_wait3A_93 = arith.constant 0 : i32
    %dma_wait3A_94 = arith.constant 0 : i32
    %dma_wait3A_95 = tpu.memref_slice %arg3[%dma_wait3A_93, %dma_wait3A_94] : memref<8192x1024xf32, #tpu.memory_space<hbm>> -> memref<8192x1024xf32, #tpu.memory_space<hbm>>
    tpu.wait_indirect_dma semaphore(%arg8 : memref<!tpu.dma_semaphore, #tpu.memory_space<semaphore_mem>>) src(%dma_wait3A_95 : memref<8192x1024xf32, #tpu.memory_space<hbm>>) dst(%dma_wait3A_90 : memref<16x1024xf32, #tpu.memory_space<vmem>>)
    %add3A_96 = arith.constant 976 : i32
    %add3A_97 = arith.addi %mul3A_2, %add3A_96 : i32
    %dma_start3A_98 = arith.constant 1 : i32
    %dma_start3A_99 = arith.constant 0 : i32
    %dma_start3A_100 = arith.constant 0 : i32
    %dma_start3A_101 = tpu.memref_slice %arg6[%dma_start3A_98, %dma_start3A_99, %dma_start3A_100] : memref<4x16x1024xf32, #tpu.memory_space<vmem>> -> memref<1x16x1024xf32, #tpu.memory_space<vmem>>
    %dma_start3A_102 = tpu.memref_squeeze %dma_start3A_101 : memref<1x16x1024xf32, #tpu.memory_space<vmem>> -> memref<16x1024xf32, #tpu.memory_space<vmem>>
    %dma_start3A_103 = arith.constant 0 : i32
    %dma_start3A_104 = tpu.memref_slice %arg4[%add3A_97, %dma_start3A_103] : memref<32768x1024xf32, #tpu.memory_space<hbm>> -> memref<16x1024xf32, #tpu.memory_space<hbm>>
    %dma_start3A_105 = arith.constant 0 : i32
    %dma_start3A_106 = tpu.memref_slice %arg4[%add3A_97, %dma_start3A_105] : memref<32768x1024xf32, #tpu.memory_space<hbm>> -> memref<16x1024xf32, #tpu.memory_space<hbm>>
    %dma_start3A_107 = arith.constant 0 : i32
    %dma_start3A_108 = arith.constant 0 : i32
    %dma_start3A_109 = tpu.memref_slice %arg6[%dma_start3A_98, %dma_start3A_107, %dma_start3A_108] : memref<4x16x1024xf32, #tpu.memory_space<vmem>> -> memref<1x16x1024xf32, #tpu.memory_space<vmem>>
    %dma_start3A_110 = tpu.memref_squeeze %dma_start3A_109 : memref<1x16x1024xf32, #tpu.memory_space<vmem>> -> memref<16x1024xf32, #tpu.memory_space<vmem>>
    tpu.enqueue_dma source(%dma_start3A_110 : memref<16x1024xf32, #tpu.memory_space<vmem>>) target(%dma_start3A_106 : memref<16x1024xf32, #tpu.memory_space<hbm>>) target_semaphore(%arg12 : memref<!tpu.dma_semaphore, #tpu.memory_space<semaphore_mem>>)
    %add3A_111 = arith.constant 976 : i32
    %add3A_112 = arith.addi %mul3A_2, %add3A_111 : i32
    %dma_wait3A_113 = arith.constant 1 : i32
    %dma_wait3A_114 = arith.constant 0 : i32
    %dma_wait3A_115 = arith.constant 0 : i32
    %dma_wait3A_116 = tpu.memref_slice %arg6[%dma_wait3A_113, %dma_wait3A_114, %dma_wait3A_115] : memref<4x16x1024xf32, #tpu.memory_space<vmem>> -> memref<1x16x1024xf32, #tpu.memory_space<vmem>>
    %dma_wait3A_117 = tpu.memref_squeeze %dma_wait3A_116 : memref<1x16x1024xf32, #tpu.memory_space<vmem>> -> memref<16x1024xf32, #tpu.memory_space<vmem>>
    %dma_wait3A_118 = arith.constant 0 : i32
    %dma_wait3A_119 = tpu.memref_slice %arg4[%add3A_112, %dma_wait3A_118] : memref<32768x1024xf32, #tpu.memory_space<hbm>> -> memref<16x1024xf32, #tpu.memory_space<hbm>>
    %dma_wait3A_120 = arith.constant 0 : i32
    %dma_wait3A_121 = tpu.memref_slice %arg4[%add3A_112, %dma_wait3A_120] : memref<32768x1024xf32, #tpu.memory_space<hbm>> -> memref<16x1024xf32, #tpu.memory_space<hbm>>
    %dma_wait3A_122 = arith.constant 0 : i32
    %dma_wait3A_123 = arith.constant 0 : i32
    %dma_wait3A_124 = tpu.memref_slice %arg6[%dma_wait3A_113, %dma_wait3A_122, %dma_wait3A_123] : memref<4x16x1024xf32, #tpu.memory_space<vmem>> -> memref<1x16x1024xf32, #tpu.memory_space<vmem>>
    %dma_wait3A_125 = tpu.memref_squeeze %dma_wait3A_124 : memref<1x16x1024xf32, #tpu.memory_space<vmem>> -> memref<16x1024xf32, #tpu.memory_space<vmem>>
    tpu.wait_dma2 semaphore(%arg12 : memref<!tpu.dma_semaphore, #tpu.memory_space<semaphore_mem>>) src(%dma_wait3A_125 : memref<16x1024xf32, #tpu.memory_space<vmem>>) dst(%dma_wait3A_121 : memref<16x1024xf32, #tpu.memory_space<hbm>>)
    %dma_wait3A_126 = arith.constant 2 : i32
    %dma_wait3A_127 = arith.constant 0 : i32
    %dma_wait3A_128 = arith.constant 0 : i32
    %dma_wait3A_129 = tpu.memref_slice %arg6[%dma_wait3A_126, %dma_wait3A_127, %dma_wait3A_128] : memref<4x16x1024xf32, #tpu.memory_space<vmem>> -> memref<1x16x1024xf32, #tpu.memory_space<vmem>>
    %dma_wait3A_130 = tpu.memref_squeeze %dma_wait3A_129 : memref<1x16x1024xf32, #tpu.memory_space<vmem>> -> memref<16x1024xf32, #tpu.memory_space<vmem>>
    %dma_wait3A_131 = arith.constant 992 : i32
    %dma_wait3A_132 = tpu.memref_slice %arg5[%dma_wait3A_131] : memref<1024xi32, #tpu.memory_space<vmem>> -> memref<16xi32, #tpu.memory_space<vmem>>
    %dma_wait3A_133 = arith.constant 0 : i32
    %dma_wait3A_134 = arith.constant 0 : i32
    %dma_wait3A_135 = tpu.memref_slice %arg3[%dma_wait3A_133, %dma_wait3A_134] : memref<8192x1024xf32, #tpu.memory_space<hbm>> -> memref<8192x1024xf32, #tpu.memory_space<hbm>>
    tpu.wait_indirect_dma semaphore(%arg9 : memref<!tpu.dma_semaphore, #tpu.memory_space<semaphore_mem>>) src(%dma_wait3A_135 : memref<8192x1024xf32, #tpu.memory_space<hbm>>) dst(%dma_wait3A_130 : memref<16x1024xf32, #tpu.memory_space<vmem>>)
    %add3A_136 = arith.constant 992 : i32
    %add3A_137 = arith.addi %mul3A_2, %add3A_136 : i32
    %dma_start3A_138 = arith.constant 2 : i32
    %dma_start3A_139 = arith.constant 0 : i32
    %dma_start3A_140 = arith.constant 0 : i32
    %dma_start3A_141 = tpu.memref_slice %arg6[%dma_start3A_138, %dma_start3A_139, %dma_start3A_140] : memref<4x16x1024xf32, #tpu.memory_space<vmem>> -> memref<1x16x1024xf32, #tpu.memory_space<vmem>>
    %dma_start3A_142 = tpu.memref_squeeze %dma_start3A_141 : memref<1x16x1024xf32, #tpu.memory_space<vmem>> -> memref<16x1024xf32, #tpu.memory_space<vmem>>
    %dma_start3A_143 = arith.constant 0 : i32
    %dma_start3A_144 = tpu.memref_slice %arg4[%add3A_137, %dma_start3A_143] : memref<32768x1024xf32, #tpu.memory_space<hbm>> -> memref<16x1024xf32, #tpu.memory_space<hbm>>
    %dma_start3A_145 = arith.constant 0 : i32
    %dma_start3A_146 = tpu.memref_slice %arg4[%add3A_137, %dma_start3A_145] : memref<32768x1024xf32, #tpu.memory_space<hbm>> -> memref<16x1024xf32, #tpu.memory_space<hbm>>
    %dma_start3A_147 = arith.constant 0 : i32
    %dma_start3A_148 = arith.constant 0 : i32
    %dma_start3A_149 = tpu.memref_slice %arg6[%dma_start3A_138, %dma_start3A_147, %dma_start3A_148] : memref<4x16x1024xf32, #tpu.memory_space<vmem>> -> memref<1x16x1024xf32, #tpu.memory_space<vmem>>
    %dma_start3A_150 = tpu.memref_squeeze %dma_start3A_149 : memref<1x16x1024xf32, #tpu.memory_space<vmem>> -> memref<16x1024xf32, #tpu.memory_space<vmem>>
    tpu.enqueue_dma source(%dma_start3A_150 : memref<16x1024xf32, #tpu.memory_space<vmem>>) target(%dma_start3A_146 : memref<16x1024xf32, #tpu.memory_space<hbm>>) target_semaphore(%arg13 : memref<!tpu.dma_semaphore, #tpu.memory_space<semaphore_mem>>)
    %add3A_151 = arith.constant 992 : i32
    %add3A_152 = arith.addi %mul3A_2, %add3A_151 : i32
    %dma_wait3A_153 = arith.constant 2 : i32
    %dma_wait3A_154 = arith.constant 0 : i32
    %dma_wait3A_155 = arith.constant 0 : i32
    %dma_wait3A_156 = tpu.memref_slice %arg6[%dma_wait3A_153, %dma_wait3A_154, %dma_wait3A_155] : memref<4x16x1024xf32, #tpu.memory_space<vmem>> -> memref<1x16x1024xf32, #tpu.memory_space<vmem>>
    %dma_wait3A_157 = tpu.memref_squeeze %dma_wait3A_156 : memref<1x16x1024xf32, #tpu.memory_space<vmem>> -> memref<16x1024xf32, #tpu.memory_space<vmem>>
    %dma_wait3A_158 = arith.constant 0 : i32
    %dma_wait3A_159 = tpu.memref_slice %arg4[%add3A_152, %dma_wait3A_158] : memref<32768x1024xf32, #tpu.memory_space<hbm>> -> memref<16x1024xf32, #tpu.memory_space<hbm>>
    %dma_wait3A_160 = arith.constant 0 : i32
    %dma_wait3A_161 = tpu.memref_slice %arg4[%add3A_152, %dma_wait3A_160] : memref<32768x1024xf32, #tpu.memory_space<hbm>> -> memref<16x1024xf32, #tpu.memory_space<hbm>>
    %dma_wait3A_162 = arith.constant 0 : i32
    %dma_wait3A_163 = arith.constant 0 : i32
    %dma_wait3A_164 = tpu.memref_slice %arg6[%dma_wait3A_153, %dma_wait3A_162, %dma_wait3A_163] : memref<4x16x1024xf32, #tpu.memory_space<vmem>> -> memref<1x16x1024xf32, #tpu.memory_space<vmem>>
    %dma_wait3A_165 = tpu.memref_squeeze %dma_wait3A_164 : memref<1x16x1024xf32, #tpu.memory_space<vmem>> -> memref<16x1024xf32, #tpu.memory_space<vmem>>
    tpu.wait_dma2 semaphore(%arg13 : memref<!tpu.dma_semaphore, #tpu.memory_space<semaphore_mem>>) src(%dma_wait3A_165 : memref<16x1024xf32, #tpu.memory_space<vmem>>) dst(%dma_wait3A_161 : memref<16x1024xf32, #tpu.memory_space<hbm>>)
    %dma_wait3A_166 = arith.constant 3 : i32
    %dma_wait3A_167 = arith.constant 0 : i32
    %dma_wait3A_168 = arith.constant 0 : i32
    %dma_wait3A_169 = tpu.memref_slice %arg6[%dma_wait3A_166, %dma_wait3A_167, %dma_wait3A_168] : memref<4x16x1024xf32, #tpu.memory_space<vmem>> -> memref<1x16x1024xf32, #tpu.memory_space<vmem>>
    %dma_wait3A_170 = tpu.memref_squeeze %dma_wait3A_169 : memref<1x16x1024xf32, #tpu.memory_space<vmem>> -> memref<16x1024xf32, #tpu.memory_space<vmem>>
    %dma_wait3A_171 = arith.constant 1008 : i32
    %dma_wait3A_172 = tpu.memref_slice %arg5[%dma_wait3A_171] : memref<1024xi32, #tpu.memory_space<vmem>> -> memref<16xi32, #tpu.memory_space<vmem>>
    %dma_wait3A_173 = arith.constant 0 : i32
    %dma_wait3A_174 = arith.constant 0 : i32
    %dma_wait3A_175 = tpu.memref_slice %arg3[%dma_wait3A_173, %dma_wait3A_174] : memref<8192x1024xf32, #tpu.memory_space<hbm>> -> memref<8192x1024xf32, #tpu.memory_space<hbm>>
    tpu.wait_indirect_dma semaphore(%arg10 : memref<!tpu.dma_semaphore, #tpu.memory_space<semaphore_mem>>) src(%dma_wait3A_175 : memref<8192x1024xf32, #tpu.memory_space<hbm>>) dst(%dma_wait3A_170 : memref<16x1024xf32, #tpu.memory_space<vmem>>)
    %add3A_176 = arith.constant 1008 : i32
    %add3A_177 = arith.addi %mul3A_2, %add3A_176 : i32
    %dma_start3A_178 = arith.constant 3 : i32
    %dma_start3A_179 = arith.constant 0 : i32
    %dma_start3A_180 = arith.constant 0 : i32
    %dma_start3A_181 = tpu.memref_slice %arg6[%dma_start3A_178, %dma_start3A_179, %dma_start3A_180] : memref<4x16x1024xf32, #tpu.memory_space<vmem>> -> memref<1x16x1024xf32, #tpu.memory_space<vmem>>
    %dma_start3A_182 = tpu.memref_squeeze %dma_start3A_181 : memref<1x16x1024xf32, #tpu.memory_space<vmem>> -> memref<16x1024xf32, #tpu.memory_space<vmem>>
    %dma_start3A_183 = arith.constant 0 : i32
    %dma_start3A_184 = tpu.memref_slice %arg4[%add3A_177, %dma_start3A_183] : memref<32768x1024xf32, #tpu.memory_space<hbm>> -> memref<16x1024xf32, #tpu.memory_space<hbm>>
    %dma_start3A_185 = arith.constant 0 : i32
    %dma_start3A_186 = tpu.memref_slice %arg4[%add3A_177, %dma_start3A_185] : memref<32768x1024xf32, #tpu.memory_space<hbm>> -> memref<16x1024xf32, #tpu.memory_space<hbm>>
    %dma_start3A_187 = arith.constant 0 : i32
    %dma_start3A_188 = arith.constant 0 : i32
    %dma_start3A_189 = tpu.memref_slice %arg6[%dma_start3A_178, %dma_start3A_187, %dma_start3A_188] : memref<4x16x1024xf32, #tpu.memory_space<vmem>> -> memref<1x16x1024xf32, #tpu.memory_space<vmem>>
    %dma_start3A_190 = tpu.memref_squeeze %dma_start3A_189 : memref<1x16x1024xf32, #tpu.memory_space<vmem>> -> memref<16x1024xf32, #tpu.memory_space<vmem>>
    tpu.enqueue_dma source(%dma_start3A_190 : memref<16x1024xf32, #tpu.memory_space<vmem>>) target(%dma_start3A_186 : memref<16x1024xf32, #tpu.memory_space<hbm>>) target_semaphore(%arg14 : memref<!tpu.dma_semaphore, #tpu.memory_space<semaphore_mem>>)
    %add3A_191 = arith.constant 1008 : i32
    %add3A_192 = arith.addi %mul3A_2, %add3A_191 : i32
    %dma_wait3A_193 = arith.constant 3 : i32
    %dma_wait3A_194 = arith.constant 0 : i32
    %dma_wait3A_195 = arith.constant 0 : i32
    %dma_wait3A_196 = tpu.memref_slice %arg6[%dma_wait3A_193, %dma_wait3A_194, %dma_wait3A_195] : memref<4x16x1024xf32, #tpu.memory_space<vmem>> -> memref<1x16x1024xf32, #tpu.memory_space<vmem>>
    %dma_wait3A_197 = tpu.memref_squeeze %dma_wait3A_196 : memref<1x16x1024xf32, #tpu.memory_space<vmem>> -> memref<16x1024xf32, #tpu.memory_space<vmem>>
    %dma_wait3A_198 = arith.constant 0 : i32
    %dma_wait3A_199 = tpu.memref_slice %arg4[%add3A_192, %dma_wait3A_198] : memref<32768x1024xf32, #tpu.memory_space<hbm>> -> memref<16x1024xf32, #tpu.memory_space<hbm>>
    %dma_wait3A_200 = arith.constant 0 : i32
    %dma_wait3A_201 = tpu.memref_slice %arg4[%add3A_192, %dma_wait3A_200] : memref<32768x1024xf32, #tpu.memory_space<hbm>> -> memref<16x1024xf32, #tpu.memory_space<hbm>>
    %dma_wait3A_202 = arith.constant 0 : i32
    %dma_wait3A_203 = arith.constant 0 : i32
    %dma_wait3A_204 = tpu.memref_slice %arg6[%dma_wait3A_193, %dma_wait3A_202, %dma_wait3A_203] : memref<4x16x1024xf32, #tpu.memory_space<vmem>> -> memref<1x16x1024xf32, #tpu.memory_space<vmem>>
    %dma_wait3A_205 = tpu.memref_squeeze %dma_wait3A_204 : memref<1x16x1024xf32, #tpu.memory_space<vmem>> -> memref<16x1024xf32, #tpu.memory_space<vmem>>
    tpu.wait_dma2 semaphore(%arg14 : memref<!tpu.dma_semaphore, #tpu.memory_space<semaphore_mem>>) src(%dma_wait3A_205 : memref<16x1024xf32, #tpu.memory_space<vmem>>) dst(%dma_wait3A_201 : memref<16x1024xf32, #tpu.memory_space<hbm>>)
    return
  }
}

</mosaic_0001>

<sc_bundles>
// kernel: kernel.3.cloned.1.call-start
scs
__scs_entry_jumppad:
0x0: {  	(pc) =	sbr.rel $0x88, $3  }
0x1: {  	(tag) =	ssettag $0x0;
	lr =	simm.s32 $0x1  }
0x2: {  	[smem:$0x3F9F] =	sst lr;
	_ =	strace $0xD0000000  }
0x3: {  	_ = 	snop  }
0x4: {  	_ = 	snop  }
0x5: {  	_ = 	snop  }
0x6: {  	_ = 	snop  }
0x7: {  	_ = 	snop  }
__scs_overlays_trampoline_lowered:
0x8: {  	[smem:$0x3FAE] =	sst s0  }
0x9: {  	[smem:$0x3FAF] =	sst s1  }
0xa: {  	[smem:$0x3FB0] =	sst s2  }
0xb: {  	[smem:$0x3FB1] =	sst s3  }
0xc: {  	[smem:$0x3FB2] =	sst s4  }
0xd: {  	[smem:$0x3FB3] =	sst s5  }
0xe: {  	[smem:$0x3FB4] =	sst s6  }
0xf: {  	[smem:$0x3FB5] =	sst s7  }
0x10: {  	[smem:$0x3FB6] =	sst s8  }
0x11: {  	[smem:$0x3FB7] =	sst s9;
	s0 =	simm.s32 @!p0 $0x0  }
0x12: {  	s1 =	sld [smem:$0x3F9D];
	s0 =	simm.s32 @p0 $0x1  }
0x13: {  	[smem:$0x3FB8] =	sst s0;
	s0 =	simm.s32 @!p1 $0x0  }
0x14: {  	s2 =	sld [smem:$0x3F9C];
	s0 =	simm.s32 @p1 $0x1  }
0x15: {  	[smem:$0x3FB9] =	sst s0;
	s0 =	simm.s32 @!p2 $0x0  }
0x16: {  	s3 =	sld [smem:$0x3FDB];
	s0 =	simm.s32 @p2 $0x1  }
0x17: {  	s4 =	simm.s32 $0x1BF5;
	[smem:$0x3FBB] =	sst s0  }
0x18: {  	s0 =	sld [smem:$0x3F9E];
	_ =	swait.ge [sflag:s4], $0x0  }
0x19: {  	s7 =	sld [smem:$0x3F9F]  }
0x1a: {  	s8 =	sadd.s32 $0xFFFFE003, lr  }
0x1b: {  	s9 =	sadd.s32 $0xFFFFFEF7, lr;
	s5 =	simm.s32 $0xFFFFFFFF;
	p2 =	slt.u32 s8, $0xFFFFF086  }
0x1c: {  	p1 =	slt.u32 s9, $0xF7A;
	s5 =	simm.s32 @!p2 $0x0  }
0x1d: {  	s5 =	simm.s32 @p1 $0x1;
	p0 =	seq.s32 s7, s2  }
0x1e: {  	s7 =	smul.u32 @!p0 $0xF7A, s2;
	p2 =	seq.s32 @!p0 s5, $0x0  }
0x1f: {  	s9 =	smul.u32 $0xF7A, s1;
	s8 =	simm.s32 @!p0 $0x1BF5;
	p2 =	por !p2, p0  }
0x20: {  	[sflag:s8] =	ssyncset.s32 @!p0 $0xFFFFF086;
	s6 =	sadd.s32 @!p0 s3, s7;
	s7 =	simm.s32 @!p0 $0x108  }
0x21: {  	s3 =	sadd.s32 s3, s9;
	s6 =	sadd.s32 @!p0 $0x88, s6;
	s7 =	simm.s32 @p2 $0x1082  }
0x22: {  	[simem:s7], [sflag:s8] =	dma.local @!p0 [hbm:s6], $0xF7A  }
0x23: {  	s9 =	sor.u32 $0xD0000000, s2;
	s6 =	simm.s32 $0x108;
	_ =	swait.ge @!p0 [sflag:s8], $0x0  }
0x24: {  	s3 =	sadd.s32 $0x88, s3;
	s6 =	simm.s32 @!p1 $0x1082;
	[sflag:s4] =	ssyncset.s32 $0xFFFFF086  }
0x25: {  	[simem:s6], [sflag:s4] =	dma.local [hbm:s3], $0xF7A  }
0x26: {  	[smem:$0x3F9F] =	sst s1;
	(tag) =	ssettag s2;
	_ =	strace s9  }
0x27: {  	s1 =	sld [smem:$0x3FAF]  }
0x28: {  	s2 =	sld [smem:$0x3FB0]  }
0x29: {  	s4 =	sld [smem:$0x3FB2]  }
0x2a: {  	p0 =	seq.s32 s5, $0x0;
	s5 =	sld [smem:$0x3FB3]  }
0x2b: {  	s6 =	sld [smem:$0x3FB4]  }
0x2c: {  	s7 =	sld [smem:$0x3FB5]  }
0x2d: {  	s3 =	simm.s32 $0x108;
	s8 =	sld [smem:$0x3FB6]  }
0x2e: {  	s3 =	simm.s32 @!p0 $0x1082;
	s9 =	sld [smem:$0x3FB7]  }
0x2f: {  	lr =	sadd.s32 s0, s3;
	s0 =	sld [smem:$0x3FAE]  }
0x30: {  	s3 =	sld [smem:$0x3FB1]  }
0x31: {  	[smem:$0x3FBA] =	sst s10  }
0x32: {  	s10 =	sld [smem:$0x3FB8];
	_ =	sdelay $0x3  }
0x33: {  	p0 =	seq.s32 s10, $0x1;
	s10 =	sld [smem:$0x3FBA];
	_ =	sdelay $0x3  }
0x34: {  	[smem:$0x3FBA] =	sst s10  }
0x35: {  	s10 =	sld [smem:$0x3FB9];
	_ =	sdelay $0x3  }
0x36: {  	p1 =	seq.s32 s10, $0x1;
	s10 =	sld [smem:$0x3FBA];
	_ =	sdelay $0x3  }
0x37: {  	[smem:$0x3FBA] =	sst s10  }
0x38: {  	s10 =	sld [smem:$0x3FBB]  }
0x39: {  	_ = 	snop;
	(pc) =	sbr.ind lr, $3  }
0x3a: {  	_ = 	snop  }
0x3b: {  	_ = 	snop  }
0x3c: {  	p2 =	seq.s32 s10, $0x1;
	s10 =	sld [smem:$0x3FBA]  }
0x3d: {  	_ =	shalt  }
0x3e: {  	_ =	shalt  }
0x3f: {  	_ =	shalt  }
0x40: {  	_ =	shalt  }
0x41: {  	_ =	shalt  }
0x42: {  	_ =	shalt  }
0x43: {  	_ =	shalt  }
0x44: {  	_ =	shalt  }
0x45: {  	_ =	shalt  }
0x46: {  	_ =	shalt  }
0x47: {  	_ =	shalt  }
0x48: {  	_ =	shalt  }
0x49: {  	_ =	shalt  }
0x4a: {  	_ =	shalt  }
0x4b: {  	_ =	shalt  }
0x4c: {  	_ =	shalt  }
0x4d: {  	_ =	shalt  }
0x4e: {  	_ =	shalt  }
0x4f: {  	_ =	shalt  }
0x50: {  	_ =	shalt  }
0x51: {  	_ =	shalt  }
0x52: {  	_ =	shalt  }
0x53: {  	_ =	shalt  }
0x54: {  	_ =	shalt  }
0x55: {  	_ =	shalt  }
0x56: {  	_ =	shalt  }
0x57: {  	_ =	shalt  }
0x58: {  	_ =	shalt  }
0x59: {  	_ =	shalt  }
0x5a: {  	_ =	shalt  }
0x5b: {  	_ =	shalt  }
0x5c: {  	_ =	shalt  }
0x5d: {  	_ =	shalt  }
0x5e: {  	_ =	shalt  }
0x5f: {  	_ =	shalt  }
0x60: {  	_ =	shalt  }
0x61: {  	_ =	shalt  }
0x62: {  	_ =	shalt  }
0x63: {  	_ =	shalt  }
0x64: {  	_ =	shalt  }
0x65: {  	_ =	shalt  }
0x66: {  	_ =	shalt  }
0x67: {  	_ =	shalt  }
0x68: {  	_ =	shalt  }
0x69: {  	_ =	shalt  }
0x6a: {  	_ =	shalt  }
0x6b: {  	_ =	shalt  }
0x6c: {  	_ =	shalt  }
0x6d: {  	_ =	shalt  }
0x6e: {  	_ =	shalt  }
0x6f: {  	_ =	shalt  }
0x70: {  	_ =	shalt  }
0x71: {  	_ =	shalt  }
0x72: {  	_ =	shalt  }
0x73: {  	_ =	shalt  }
0x74: {  	_ =	shalt  }
0x75: {  	_ =	shalt  }
0x76: {  	_ =	shalt  }
0x77: {  	_ =	shalt  }
0x78: {  	_ =	shalt  }
0x79: {  	_ =	shalt  }
0x7a: {  	_ =	shalt  }
0x7b: {  	_ =	shalt  }
0x7c: {  	_ =	shalt  }
0x7d: {  	_ =	shalt  }
0x7e: {  	_ =	shalt  }
0x7f: {  	_ =	shalt  }
0x80: {  	_ =	shalt  }
0x81: {  	_ =	shalt  }
0x82: {  	_ =	shalt  }
0x83: {  	_ =	shalt  }
0x84: {  	_ =	shalt  }
0x85: {  	_ =	shalt  }
0x86: {  	_ =	shalt  }
0x87: {  	_ =	shalt  }
.Lfunc_end0:
.L_simem_size_0:
called_computation_lowered:
.L_overlay_start_0:
0x88: {  	s2 =	sld [smem:$0x3FD9]  }
0x89: {  	s3 =	sld [smem:$0x3FFE];
	_ =	sdelay $0x1  }
0x8a: {  	s1 =	srdreg.scid  }
0x8b: {  	s0 =	sand.u32 $0x1, s1  }
0x8c: {  	s17 =	sshll.u32 s0, $0xA;
	s2 =	sadd.s32 s3, s2  }
0x8d: {  	s2 =	sadd.s32 s2, s17  }
0x8e: {  	[smem:$0x3FC6] =	sst s2  }
0x8f: {  	_ = 	snop  }
0x90: {  	s2 =	sld [smem:$0x3FC8]  }
0x91: {  	s18 =	sld [smem:$0x3FD0];
	(tm) =	ssettm $0x1  }
0x92: {  	s4 =	sld [smem:$0x3FFB];
	_ =	sdelay $0x3  }
0x93: {  	_ =	strace s4  }
0x94: {  	s4 =	sld [smem:$0x3FFC];
	_ =	sdelay $0x3  }
0x95: {  	_ =	strace s4  }
0x96: {  	s4 =	sld [smem:$0x3FFD];
	_ =	sdelay $0x3  }
0x97: {  	_ =	strace s4  }
0x98: {  	_ =	strace $0x8FFFFFFF  }
0x99: {  	s19 =	sld [smem:$0x3FDB];
	_ =	sdelay $0x1  }
0x9a: {  	s5 =	simm.s32 $_scs_section_size  }
0x9b: {  	s6 =	simm.s32 $_size__tile_overlayer_lowered;
	s7 =	simm.s32 $_tile_overlayer_lowered  }
0x9c: {  	s22 =	simm.s32 $0x1BFF;
	s21 =	sshll.u32 s7, $0x1;
	s4 =	sadd.s32 s5, s19  }
0x9d: {  	s8 =	simm.s32 $0x0;
	s20 =	sshll.u32 s6, $0x1;
	s6 =	sadd.s32 s21, s4  }
0x9e: {  	[timem:s8], [sflag:s22] =	dma.local [hbm:s6], s20  }
0x9f: {  	_ =	swait.ge [sflag:s22], s20  }
0xa0: {  	s5 =	ssub.s32 $0x0, s20;
	[sflag:s22] =	ssyncset.done $0x0  }
0xa1: {  	[sflag:s22] =	ssyncadd.s32 s5;
	_ =	sdelay $0x1  }
0xa2: {  	s23 =	simm.s32 $0x1B8B  }
0xa3: {  	_ =	swait.ge [sflag:s23], $0x1  }
0xa4: {  	[sflag:s23] =	ssyncset.done $0x0  }
0xa5: {  	s25 =	simm.s32 $0x1B8E;
	s24 =	sld [smem:$0x3FFE];
	[sflag:s23] =	ssyncadd.s32 $0xFFFFFFFF  }
0xa6: {  	s26 =	simm.s32 $execute0_lowered;
	[smem:$0x3FD2] =	sst s25  }
0xa7: {  	s6 =	sshll.u32 s26, $0x1;
	_ =	strace $0x80000046;
	[dreg:$0x1] =	wrdreg $0xFFFFFFFF  }
0xa8: {  	s28 =	simm.s32 $_size_execute0_lowered;
	s4 =	sadd.s32 s4, s6;
	[dreg:$0x0] =	wrdreg $0x0  }
0xa9: {  	s6 =	sshll.u32 s28, $0x1;
	[dreg:$0x2] =	wrdreg s4  }
0xaa: {  	[dreg:$0x3] =	wrdreg s6  }
0xab: {  	[dreg:$0x4] =	wrdreg $0xC0  }
0xac: {  	_ =	task [dreg:s8], $0x5FFFF  }
0xad: {  	[dreg:$0x1] =	wrdreg $0xFFFFFFFF  }
0xae: {  	[dreg:$0x0] =	wrdreg $0x60  }
0xaf: {  	[dreg:$0x2] =	wrdreg s24  }
0xb0: {  	[dreg:$0x3] =	wrdreg s2  }
0xb1: {  	[dreg:$0x4] =	wrdreg s18  }
0xb2: {  	[dreg:$0x5] =	wrdreg $0x9  }
0xb3: {  	_ =	task.clear_ibuf [dreg:s8], $0x6FFFF;
	_ =	strace $0x90000046  }
0xb4: {  	s29 =	simm.s32 $0x9;
	_ =	strace $0x80000048  }
0xb5: {  	_ =	swait.ge [sflag:s29], $0x1  }
0xb6: {  	[sflag:s29] =	ssyncadd.s32 $0xFFFFFFFF  }
0xb7: {  	_ =	strace $0x90000048  }
0xb8: {  	_ =	sfence  }
0xb9: {  	s30 =	sld [smem:$0x0];
	_ =	sdelay $0x2  }
0xba: {  	s31 =	sshll.u32 s1, $0xD;
	s1 =	sshrl.u32 s1, $0x2  }
0xbb: {  	s3 =	sand.u32 $0x4000, s31;
	s1 =	sadd.s32 s1, s30  }
0xbc: {  	s0 =	sor.u32 s3, s0;
	s1 =	sshll.u32 s1, $0x11  }
0xbd: {  	s0 =	sor.u32 s1, s0  }
0xbe: {  	s0 =	sadd.s32 $0x8F2B, s0  }
0xbf: {  	[sflag:s0] =	ssyncadd.remote.s32 $0x1  }
0xc0: {  	_ =	sfence.sel $0xFFFF  }
0xc1: {  	[dreg:$0x0] =	wrdreg $0xFFFFFFFF;
	(pc) =	sbr.abs _section_cstart, $3  }
0xc2: {  	[dreg:$0x1] =	wrdreg $0xFFFFFFFF  }
0xc3: {  	_ =	task.clear_ibuf [dreg:s8], $0x2FFFF;
	_ =	strace $0x9FFFFFFF  }
0xc4: {  	(tm) =	ssettm $0x7FFFFFFF  }
0xc5: {  	_ =	shalt  }
tec
execute0_lowered:
.L_overlay_start_1:
0x0: {  	(tag) =	ssettag $0x1  }
0x1: {  	s0 =	rddreg [dreg:$0x0]  }
0x2: {  	s1 =	srdreg.scid;
	s2 =	rddreg [dreg:$0x1]  }
0x3: {  	s9 =	stileid.u32;
	s4 =	rddreg [dreg:$0x2];
	s19 =	simm.s32 $0x3400  }
0x4: {  	s13 =	simm.s32 $0x3C00;
	s31 =	simm.s32 $0x4400;
	s15 =	simm.s32 $0x4C00  }
0x5: {  	s16 =	simm.s32 $0x5400;
	s17 =	simm.s32 $0x5C00;
	s18 =	simm.s32 $0x6400  }
0x6: {  	s14 =	simm.s32 $0x6C00;
	s20 =	simm.s32 $0x7400;
	s11 =	simm.s32 $0x8400  }
0x7: {  	s12 =	simm.s32 $0xC400;
	s21 =	simm.s32 $0x1;
	s28 =	simm.s32 $0x7  }
0x8: {  	s29 =	simm.s32 $0x4;
	s30 =	simm.s32 $0x8;
	s1 =	sand.u32 $0x1, s1  }
0x9: {  	s3 =	sshll.u32 s9, $0xB;
	s9 =	sshll.u32 s9, $0x12;
	s5 =	sshll.u32 s1, $0xA  }
0xa: {  	s6 =	ssub.s32 $0x2, s1;
	s1 =	sshll.u32 s1, $0x11;
	s7 =	sor.u32 s5, s3  }
0xb: {  	s3 =	simm.s32 $0x0;
	s22 =	sshrl.u32 s6, $0x1;
	s5 =	sshrl.u32 s7, $0x3  }
0xc: {  	[smem:$0x7FF] =	sst s3;
	s8 =	ssub.s32 s6, s22;
	s6 =	sadd.s32 $0x200, s2  }
0xd: {  	s23 =	sshll.u32 s7, $0x7;
	s7 =	sadd.s32 $0x300, s2;
	s0 =	sadd.s32 s5, s0  }
0xe: {  	s22 =	simm.s32 $0x400;
	_ =	strace $0x80000047;
	s0 =	sadd.s32 $0x400, s0  }
0xf: {  	s26 =	smax.u32 s8, $0x1;
	[dreg:$0x5] =	wrdreg s0;
	s0 =	sadd.s32 s23, s4  }
0x10: {  	s5 =	sadd.s32 $0x100, s2;
	[dreg:$0xa] =	wrdreg s26;
	s10 =	sadd.s32 $0x1E000, s0  }
0x11: {  	s8 =	simm.s32 $0xC00;
	s24 =	sadd.s32 $0x1E800, s0;
	[dreg:$0x6] =	wrdreg s10  }
0x12: {  	s26 =	simm.s32 $0x3;
	s25 =	sadd.s32 $0x1F000, s0;
	[dreg:$0x7] =	wrdreg s24  }
0x13: {  	s4 =	sadd.s32 s9, s4;
	s0 =	sadd.s32 $0x1F800, s0;
	[dreg:$0x8] =	wrdreg s25  }
0x14: {  	s9 =	simm.s32 $0x2400;
	s1 =	sadd.s32 s1, s4;
	[dreg:$0x9] =	wrdreg s0  }
0x15: {  	v2 =	vlaneseq.u32;
	s23 =	simm.s32 $0x5;
	s4 =	simm.s32 $0x1C00;
	[dreg:$0x4] =	wrdreg s1  }
0x16: {  	vm0 =	vmmov $0xffff;
	v1 =	vshrl.u32 v2, $0x3;
	s1 =	simm.s32 $0x1400;
	s10 =	simm.s32 $0x2C00;
	s0 =	simm.s32 $0x0  }
0x17: {  	v0 =	vand.u32 $0x7, v2;
	v2 =	vor.u32 $0x8, v2;
	v1 =	vmul.u32 $0x8, v1;
	s24 =	simm.s32 $0x2;
	s25 =	simm.s32 $0x6;
	[dreg:$0xb] =	wrdreg s0  }
.LBB2_1:
0x18: {  	s0 =	rddreg [dreg:$0x5]  }
0x19: {  	[tilespmem:s3], [sflag:$0x9] =	stream.linear.gather [hbm4b:s0+s3], $0x400, $0x38;
	[tilespmem:$0x10400] =	vst v63  }
0x1a: {  	s0 =	simm.s32 $0x9  }
0x1b: {  	_ =	swait.ge [sflag:s0], $0x400  }
0x1c: {  	[sflag:s0] =	ssyncset.done $0x0  }
0x1d: {  	[sflag:s0] =	ssyncadd.s32 $0xFFFFFC00  }
0x1e: {  	v3 =	vld [tilespmem:$0x0];
	_ =	sdelay $0x4  }
0x1f: {  	v4 =	vshll.u32 v3, $0x3  }
0x20: {  	v3 =	vand.u32 $0x7, v3;
	v4 =	vand.u32 $0xFFFFFFC0, v4  }
0x21: {  	v3 =	vor.u32 v3, v4  }
0x22: {  	v4 =	vperm.xlane v3, v0;
	_ =	sdelay $0x1  }
0x23: {  	v4 =	vadd.s32 v1, v4;
	_ =	sdelay $0x4  }
0x24: {  	[tilespmem:s22], [sflag:$0x1] =	stream.indirect_vreg.gather [hbm4b:s2+s3], $0x80, v4, vm0, $0xb8;
	[tilespmem:$0x10400] =	vst v63  }
0x25: {  	v3 =	vperm.xlane v3, v2  }
0x26: {  	[tilespmem:s8], [sflag:$0x1] =	stream.indirect_vreg.gather [hbm4b:s5+s3], $0x80, v4, vm0, $0xb8;
	[tilespmem:$0x10400] =	vst v63  }
0x27: {  	v3 =	vadd.s32 v1, v3  }
0x28: {  	[tilespmem:s1], [sflag:$0x1] =	stream.indirect_vreg.gather [hbm4b:s6+s3], $0x80, v4, vm0, $0xb8;
	[tilespmem:$0x10400] =	vst v63  }
0x29: {  	_ = 	snop  }
0x2a: {  	[tilespmem:s4], [sflag:$0x1] =	stream.indirect_vreg.gather [hbm4b:s7+s3], $0x80, v4, vm0, $0xb8;
	[tilespmem:$0x10400] =	vst v63  }
0x2b: {  	_ = 	snop  }
0x2c: {  	[tilespmem:s9], [sflag:$0x1] =	stream.indirect_vreg.gather [hbm4b:s2+s3], $0x80, v3, vm0, $0xb8;
	[tilespmem:$0x10400] =	vst v63  }
0x2d: {  	_ = 	snop  }
0x2e: {  	[tilespmem:s10], [sflag:$0x1] =	stream.indirect_vreg.gather [hbm4b:s5+s3], $0x80, v3, vm0, $0xb8;
	[tilespmem:$0x10400] =	vst v63  }
0x2f: {  	_ = 	snop  }
0x30: {  	[tilespmem:s19], [sflag:$0x1] =	stream.indirect_vreg.gather [hbm4b:s6+s3], $0x80, v3, vm0, $0xb8;
	[tilespmem:$0x10400] =	vst v63  }
0x31: {  	_ = 	snop  }
0x32: {  	[tilespmem:s13], [sflag:$0x1] =	stream.indirect_vreg.gather [hbm4b:s7+s3], $0x80, v3, vm0, $0xb8;
	[tilespmem:$0x10400] =	vst v63  }
0x33: {  	v3 =	vld [tilespmem:$0x10];
	_ =	sdelay $0x4  }
0x34: {  	v61 =	vshll.u32 v3, $0x3  }
0x35: {  	v3 =	vand.u32 $0x7, v3;
	v4 =	vand.u32 $0xFFFFFFC0, v61  }
0x36: {  	v3 =	vor.u32 v3, v4  }
0x37: {  	v4 =	vperm.xlane v3, v0;
	_ =	sdelay $0x1  }
0x38: {  	v4 =	vadd.s32 v1, v4;
	_ =	sdelay $0x4  }
0x39: {  	[tilespmem:s31], [sflag:$0x2] =	stream.indirect_vreg.gather [hbm4b:s2+s3], $0x80, v4, vm0, $0xb8;
	[tilespmem:$0x10400] =	vst v63  }
0x3a: {  	v3 =	vperm.xlane v3, v2  }
0x3b: {  	[tilespmem:s15], [sflag:$0x2] =	stream.indirect_vreg.gather [hbm4b:s5+s3], $0x80, v4, vm0, $0xb8;
	[tilespmem:$0x10400] =	vst v63  }
0x3c: {  	v3 =	vadd.s32 v1, v3  }
0x3d: {  	[tilespmem:s16], [sflag:$0x2] =	stream.indirect_vreg.gather [hbm4b:s6+s3], $0x80, v4, vm0, $0xb8;
	[tilespmem:$0x10400] =	vst v63  }
0x3e: {  	_ = 	snop  }
0x3f: {  	[tilespmem:s17], [sflag:$0x2] =	stream.indirect_vreg.gather [hbm4b:s7+s3], $0x80, v4, vm0, $0xb8;
	[tilespmem:$0x10400] =	vst v63  }
0x40: {  	_ = 	snop  }
0x41: {  	[tilespmem:s18], [sflag:$0x2] =	stream.indirect_vreg.gather [hbm4b:s2+s3], $0x80, v3, vm0, $0xb8;
	[tilespmem:$0x10400] =	vst v63  }
0x42: {  	_ = 	snop  }
0x43: {  	[tilespmem:s14], [sflag:$0x2] =	stream.indirect_vreg.gather [hbm4b:s5+s3], $0x80, v3, vm0, $0xb8;
	[tilespmem:$0x10400] =	vst v63  }
0x44: {  	_ = 	snop  }
0x45: {  	[tilespmem:s20], [sflag:$0x2] =	stream.indirect_vreg.gather [hbm4b:s6+s3], $0x80, v3, vm0, $0xb8;
	[tilespmem:$0x10400] =	vst v63  }
0x46: {  	s10 =	simm.s32 $0x7C00  }
0x47: {  	[tilespmem:s10], [sflag:$0x2] =	stream.indirect_vreg.gather [hbm4b:s7+s3], $0x80, v3, vm0, $0xb8;
	[tilespmem:$0x10400] =	vst v63  }
0x48: {  	v3 =	vld [tilespmem:$0x20];
	_ =	sdelay $0x4  }
0x49: {  	v62 =	vshll.u32 v3, $0x3  }
0x4a: {  	v3 =	vand.u32 $0x7, v3;
	v4 =	vand.u32 $0xFFFFFFC0, v62  }
0x4b: {  	v3 =	vor.u32 v3, v4  }
0x4c: {  	v4 =	vperm.xlane v3, v0;
	_ =	sdelay $0x1  }
0x4d: {  	v4 =	vadd.s32 v1, v4;
	_ =	sdelay $0x4  }
0x4e: {  	[tilespmem:s11], [sflag:$0x3] =	stream.indirect_vreg.gather [hbm4b:s2+s3], $0x80, v4, vm0, $0xb8;
	[tilespmem:$0x10400] =	vst v63  }
0x4f: {  	v3 =	vperm.xlane v3, v2;
	s11 =	simm.s32 $0x8C00  }
0x50: {  	[tilespmem:s11], [sflag:$0x3] =	stream.indirect_vreg.gather [hbm4b:s5+s3], $0x80, v4, vm0, $0xb8;
	[tilespmem:$0x10400] =	vst v63  }
0x51: {  	s13 =	simm.s32 $0x9400;
	v3 =	vadd.s32 v1, v3  }
0x52: {  	[tilespmem:s13], [sflag:$0x3] =	stream.indirect_vreg.gather [hbm4b:s6+s3], $0x80, v4, vm0, $0xb8;
	[tilespmem:$0x10400] =	vst v63  }
0x53: {  	s14 =	simm.s32 $0x9C00  }
0x54: {  	[tilespmem:s14], [sflag:$0x3] =	stream.indirect_vreg.gather [hbm4b:s7+s3], $0x80, v4, vm0, $0xb8;
	[tilespmem:$0x10400] =	vst v63  }
0x55: {  	s15 =	simm.s32 $0xA400  }
0x56: {  	[tilespmem:s15], [sflag:$0x3] =	stream.indirect_vreg.gather [hbm4b:s2+s3], $0x80, v3, vm0, $0xb8;
	[tilespmem:$0x10400] =	vst v63  }
0x57: {  	s16 =	simm.s32 $0xAC00  }
0x58: {  	[tilespmem:s16], [sflag:$0x3] =	stream.indirect_vreg.gather [hbm4b:s5+s3], $0x80, v3, vm0, $0xb8;
	[tilespmem:$0x10400] =	vst v63  }
0x59: {  	s17 =	simm.s32 $0xB400  }
0x5a: {  	[tilespmem:s17], [sflag:$0x3] =	stream.indirect_vreg.gather [hbm4b:s6+s3], $0x80, v3, vm0, $0xb8;
	[tilespmem:$0x10400] =	vst v63  }
0x5b: {  	s18 =	simm.s32 $0xBC00  }
0x5c: {  	[tilespmem:s18], [sflag:$0x3] =	stream.indirect_vreg.gather [hbm4b:s7+s3], $0x80, v3, vm0, $0xb8;
	[tilespmem:$0x10400] =	vst v63  }
0x5d: {  	v3 =	vld [tilespmem:$0x30];
	_ =	sdelay $0x4  }
0x5e: {  	v63 =	vshll.u32 v3, $0x3  }
0x5f: {  	v3 =	vand.u32 $0x7, v3;
	v4 =	vand.u32 $0xFFFFFFC0, v63  }
0x60: {  	v3 =	vor.u32 v3, v4  }
0x61: {  	v4 =	vperm.xlane v3, v0;
	_ =	sdelay $0x1  }
0x62: {  	v4 =	vadd.s32 v1, v4;
	_ =	sdelay $0x4  }
0x63: {  	[tilespmem:s12], [sflag:$0x4] =	stream.indirect_vreg.gather [hbm4b:s2+s3], $0x80, v4, vm0, $0xb8;
	[tilespmem:$0x10400] =	vst v63  }
0x64: {  	s19 =	simm.s32 $0xCC00;
	v3 =	vperm.xlane v3, v2  }
0x65: {  	[tilespmem:s19], [sflag:$0x4] =	stream.indirect_vreg.gather [hbm4b:s5+s3], $0x80, v4, vm0, $0xb8;
	[tilespmem:$0x10400] =	vst v63  }
0x66: {  	s20 =	simm.s32 $0xD400;
	v3 =	vadd.s32 v1, v3  }
0x67: {  	[tilespmem:s20], [sflag:$0x4] =	stream.indirect_vreg.gather [hbm4b:s6+s3], $0x80, v4, vm0, $0xb8;
	[tilespmem:$0x10400] =	vst v63  }
0x68: {  	s22 =	simm.s32 $0xDC00  }
0x69: {  	[tilespmem:s22], [sflag:$0x4] =	stream.indirect_vreg.gather [hbm4b:s7+s3], $0x80, v4, vm0, $0xb8;
	[tilespmem:$0x10400] =	vst v63  }
0x6a: {  	s0 =	simm.s32 $0x0;
	s1 =	simm.s32 $0x70;
	s31 =	simm.s32 $0xE400  }
0x6b: {  	[tilespmem:s31], [sflag:$0x4] =	stream.indirect_vreg.gather [hbm4b:s2+s3], $0x80, v3, vm0, $0xb8;
	[tilespmem:$0x10400] =	vst v63  }
0x6c: {  	s9 =	simm.s32 $0xFC00;
	s10 =	simm.s32 $0x1C00;
	s15 =	simm.s32 $0xEC00  }
0x6d: {  	[tilespmem:s15], [sflag:$0x4] =	stream.indirect_vreg.gather [hbm4b:s5+s3], $0x80, v3, vm0, $0xb8;
	[tilespmem:$0x10400] =	vst v63  }
0x6e: {  	s13 =	simm.s32 $0x2C00;
	s16 =	simm.s32 $0x3C00;
	s19 =	simm.s32 $0xF400  }
0x6f: {  	[tilespmem:s19], [sflag:$0x4] =	stream.indirect_vreg.gather [hbm4b:s6+s3], $0x80, v3, vm0, $0xb8;
	[tilespmem:$0x10400] =	vst v63  }
0x70: {  	s17 =	simm.s32 $0x7400;
	s18 =	simm.s32 $0x5400;
	s20 =	simm.s32 $0x6400  }
0x71: {  	[tilespmem:s9], [sflag:$0x4] =	stream.indirect_vreg.gather [hbm4b:s7+s3], $0x80, v3, vm0, $0xb8;
	[tilespmem:$0x10400] =	vst v63  }
.LBB2_2:
0x72: {  	_ =	swait.ge [sflag:s21], $0x4000  }
0x73: {  	s4 =	rddreg [dreg:$0x4];
	[sflag:s21] =	ssyncset.done $0x0  }
0x74: {  	s31 =	simm.s32 $0x400;
	[sflag:s21] =	ssyncadd.s32 $0xFFFFC000;
	s4 =	sadd.s32 s0, s4  }
0x75: {  	[hbm4b:s4+s3] =	stream.linear.scatter [tilespmem:s31], [sflag:$0x5], $0x4000, $0x38;
	[tilespmem:$0x10400] =	vst v63  }
0x76: {  	_ =	swait.ge [sflag:s23], $0x4000  }
0x77: {  	[sflag:s23] =	ssyncset.done $0x0  }
0x78: {  	[sflag:s23] =	ssyncadd.s32 $0xFFFFC000  }
0x79: {  	v3 =	vld [tilespmem:s1+$0xFFFFFFD0];
	_ =	sdelay $0x4  }
0x7a: {  	v4 =	vshll.u32 v3, $0x3  }
0x7b: {  	v3 =	vand.u32 $0x7, v3;
	v4 =	vand.u32 $0xFFFFFFC0, v4  }
0x7c: {  	v3 =	vor.u32 v3, v4  }
0x7d: {  	v4 =	vperm.xlane v3, v0;
	_ =	sdelay $0x1  }
0x7e: {  	v4 =	vadd.s32 v1, v4;
	_ =	sdelay $0x4  }
0x7f: {  	[tilespmem:s31], [sflag:$0x1] =	stream.indirect_vreg.gather [hbm4b:s2+s3], $0x80, v4, vm0, $0xb8;
	[tilespmem:$0x10400] =	vst v63  }
0x80: {  	v3 =	vperm.xlane v3, v2  }
0x81: {  	[tilespmem:s8], [sflag:$0x1] =	stream.indirect_vreg.gather [hbm4b:s5+s3], $0x80, v4, vm0, $0xb8;
	[tilespmem:$0x10400] =	vst v63  }
0x82: {  	s11 =	simm.s32 $0x1400;
	v3 =	vadd.s32 v1, v3  }
0x83: {  	[tilespmem:s11], [sflag:$0x1] =	stream.indirect_vreg.gather [hbm4b:s6+s3], $0x80, v4, vm0, $0xb8;
	[tilespmem:$0x10400] =	vst v63  }
0x84: {  	_ = 	snop  }
0x85: {  	[tilespmem:s10], [sflag:$0x1] =	stream.indirect_vreg.gather [hbm4b:s7+s3], $0x80, v4, vm0, $0xb8;
	[tilespmem:$0x10400] =	vst v63  }
0x86: {  	s14 =	simm.s32 $0x2400  }
0x87: {  	[tilespmem:s14], [sflag:$0x1] =	stream.indirect_vreg.gather [hbm4b:s2+s3], $0x80, v3, vm0, $0xb8;
	[tilespmem:$0x10400] =	vst v63  }
0x88: {  	_ = 	snop  }
0x89: {  	[tilespmem:s13], [sflag:$0x1] =	stream.indirect_vreg.gather [hbm4b:s5+s3], $0x80, v3, vm0, $0xb8;
	[tilespmem:$0x10400] =	vst v63  }
0x8a: {  	s11 =	simm.s32 $0x3400  }
0x8b: {  	[tilespmem:s11], [sflag:$0x1] =	stream.indirect_vreg.gather [hbm4b:s6+s3], $0x80, v3, vm0, $0xb8;
	[tilespmem:$0x10400] =	vst v63  }
0x8c: {  	_ = 	snop  }
0x8d: {  	[tilespmem:s16], [sflag:$0x1] =	stream.indirect_vreg.gather [hbm4b:s7+s3], $0x80, v3, vm0, $0xb8;
	[tilespmem:$0x10400] =	vst v63  }
0x8e: {  	_ =	swait.ge [sflag:s24], $0x4000  }
0x8f: {  	[sflag:s24] =	ssyncset.done $0x0  }
0x90: {  	s14 =	sadd.s32 $0x800, s4;
	s11 =	simm.s32 $0x4400;
	[sflag:s24] =	ssyncadd.s32 $0xFFFFC000  }
0x91: {  	[hbm4b:s14+s3] =	stream.linear.scatter [tilespmem:s11], [sflag:$0x6], $0x4000, $0x38;
	[tilespmem:$0x10400] =	vst v63  }
0x92: {  	_ =	swait.ge [sflag:s25], $0x4000  }
0x93: {  	[sflag:s25] =	ssyncset.done $0x0  }
0x94: {  	[sflag:s25] =	ssyncadd.s32 $0xFFFFC000  }
0x95: {  	v3 =	vld [tilespmem:s1+$0xFFFFFFE0];
	_ =	sdelay $0x4  }
0x96: {  	v61 =	vshll.u32 v3, $0x3  }
0x97: {  	v3 =	vand.u32 $0x7, v3;
	v4 =	vand.u32 $0xFFFFFFC0, v61  }
0x98: {  	v3 =	vor.u32 v3, v4  }
0x99: {  	v4 =	vperm.xlane v3, v0;
	_ =	sdelay $0x1  }
0x9a: {  	v4 =	vadd.s32 v1, v4;
	_ =	sdelay $0x4  }
0x9b: {  	[tilespmem:s11], [sflag:$0x2] =	stream.indirect_vreg.gather [hbm4b:s2+s3], $0x80, v4, vm0, $0xb8;
	[tilespmem:$0x10400] =	vst v63  }
0x9c: {  	v3 =	vperm.xlane v3, v2;
	s11 =	simm.s32 $0x4C00  }
0x9d: {  	[tilespmem:s11], [sflag:$0x2] =	stream.indirect_vreg.gather [hbm4b:s5+s3], $0x80, v4, vm0, $0xb8;
	[tilespmem:$0x10400] =	vst v63  }
0x9e: {  	v3 =	vadd.s32 v1, v3  }
0x9f: {  	[tilespmem:s18], [sflag:$0x2] =	stream.indirect_vreg.gather [hbm4b:s6+s3], $0x80, v4, vm0, $0xb8;
	[tilespmem:$0x10400] =	vst v63  }
0xa0: {  	s14 =	simm.s32 $0x5C00  }
0xa1: {  	[tilespmem:s14], [sflag:$0x2] =	stream.indirect_vreg.gather [hbm4b:s7+s3], $0x80, v4, vm0, $0xb8;
	[tilespmem:$0x10400] =	vst v63  }
0xa2: {  	_ = 	snop  }
0xa3: {  	[tilespmem:s20], [sflag:$0x2] =	stream.indirect_vreg.gather [hbm4b:s2+s3], $0x80, v3, vm0, $0xb8;
	[tilespmem:$0x10400] =	vst v63  }
0xa4: {  	s11 =	simm.s32 $0x6C00  }
0xa5: {  	[tilespmem:s11], [sflag:$0x2] =	stream.indirect_vreg.gather [hbm4b:s5+s3], $0x80, v3, vm0, $0xb8;
	[tilespmem:$0x10400] =	vst v63  }
0xa6: {  	_ = 	snop  }
0xa7: {  	[tilespmem:s17], [sflag:$0x2] =	stream.indirect_vreg.gather [hbm4b:s6+s3], $0x80, v3, vm0, $0xb8;
	[tilespmem:$0x10400] =	vst v63  }
0xa8: {  	s14 =	simm.s32 $0x7C00  }
0xa9: {  	[tilespmem:s14], [sflag:$0x2] =	stream.indirect_vreg.gather [hbm4b:s7+s3], $0x80, v3, vm0, $0xb8;
	[tilespmem:$0x10400] =	vst v63  }
0xaa: {  	_ =	swait.ge [sflag:s26], $0x4000  }
0xab: {  	[sflag:s26] =	ssyncset.done $0x0  }
0xac: {  	s11 =	sadd.s32 $0x1000, s4;
	s14 =	simm.s32 $0x8400;
	[sflag:s26] =	ssyncadd.s32 $0xFFFFC000  }
0xad: {  	[hbm4b:s11+s3] =	stream.linear.scatter [tilespmem:s14], [sflag:$0x7], $0x4000, $0x38;
	[tilespmem:$0x10400] =	vst v63  }
0xae: {  	_ =	swait.ge [sflag:s28], $0x4000  }
0xaf: {  	[sflag:s28] =	ssyncset.done $0x0  }
0xb0: {  	[sflag:s28] =	ssyncadd.s32 $0xFFFFC000  }
0xb1: {  	v3 =	vld [tilespmem:s1+$0xFFFFFFF0];
	_ =	sdelay $0x4  }
0xb2: {  	v62 =	vshll.u32 v3, $0x3  }
0xb3: {  	v3 =	vand.u32 $0x7, v3;
	v4 =	vand.u32 $0xFFFFFFC0, v62  }
0xb4: {  	v3 =	vor.u32 v3, v4  }
0xb5: {  	v4 =	vperm.xlane v3, v0;
	_ =	sdelay $0x1  }
0xb6: {  	v4 =	vadd.s32 v1, v4;
	_ =	sdelay $0x4  }
0xb7: {  	[tilespmem:s14], [sflag:$0x3] =	stream.indirect_vreg.gather [hbm4b:s2+s3], $0x80, v4, vm0, $0xb8;
	[tilespmem:$0x10400] =	vst v63  }
0xb8: {  	v3 =	vperm.xlane v3, v2;
	s14 =	simm.s32 $0x8C00  }
0xb9: {  	[tilespmem:s14], [sflag:$0x3] =	stream.indirect_vreg.gather [hbm4b:s5+s3], $0x80, v4, vm0, $0xb8;
	[tilespmem:$0x10400] =	vst v63  }
0xba: {  	v3 =	vadd.s32 v1, v3;
	s14 =	simm.s32 $0x9400  }
0xbb: {  	[tilespmem:s14], [sflag:$0x3] =	stream.indirect_vreg.gather [hbm4b:s6+s3], $0x80, v4, vm0, $0xb8;
	[tilespmem:$0x10400] =	vst v63  }
0xbc: {  	s14 =	simm.s32 $0x9C00  }
0xbd: {  	[tilespmem:s14], [sflag:$0x3] =	stream.indirect_vreg.gather [hbm4b:s7+s3], $0x80, v4, vm0, $0xb8;
	[tilespmem:$0x10400] =	vst v63  }
0xbe: {  	s14 =	simm.s32 $0xA400  }
0xbf: {  	[tilespmem:s14], [sflag:$0x3] =	stream.indirect_vreg.gather [hbm4b:s2+s3], $0x80, v3, vm0, $0xb8;
	[tilespmem:$0x10400] =	vst v63  }
0xc0: {  	s14 =	simm.s32 $0xAC00  }
0xc1: {  	[tilespmem:s14], [sflag:$0x3] =	stream.indirect_vreg.gather [hbm4b:s5+s3], $0x80, v3, vm0, $0xb8;
	[tilespmem:$0x10400] =	vst v63  }
0xc2: {  	s14 =	simm.s32 $0xB400  }
0xc3: {  	[tilespmem:s14], [sflag:$0x3] =	stream.indirect_vreg.gather [hbm4b:s6+s3], $0x80, v3, vm0, $0xb8;
	[tilespmem:$0x10400] =	vst v63  }
0xc4: {  	s14 =	simm.s32 $0xBC00  }
0xc5: {  	[tilespmem:s14], [sflag:$0x3] =	stream.indirect_vreg.gather [hbm4b:s7+s3], $0x80, v3, vm0, $0xb8;
	[tilespmem:$0x10400] =	vst v63  }
0xc6: {  	_ =	swait.ge [sflag:s29], $0x4000  }
0xc7: {  	[sflag:s29] =	ssyncset.done $0x0  }
0xc8: {  	s4 =	sadd.s32 $0x1800, s4;
	[sflag:s29] =	ssyncadd.s32 $0xFFFFC000  }
0xc9: {  	[hbm4b:s4+s3] =	stream.linear.scatter [tilespmem:s12], [sflag:$0x8], $0x4000, $0x38;
	[tilespmem:$0x10400] =	vst v63  }
0xca: {  	_ =	swait.ge [sflag:s30], $0x4000  }
0xcb: {  	[sflag:s30] =	ssyncset.done $0x0  }
0xcc: {  	[sflag:s30] =	ssyncadd.s32 $0xFFFFC000  }
0xcd: {  	v3 =	vld [tilespmem:s1+$0x0];
	_ =	sdelay $0x4  }
0xce: {  	v63 =	vshll.u32 v3, $0x3  }
0xcf: {  	v3 =	vand.u32 $0x7, v3;
	v4 =	vand.u32 $0xFFFFFFC0, v63  }
0xd0: {  	v3 =	vor.u32 v3, v4  }
0xd1: {  	v4 =	vperm.xlane v3, v0;
	_ =	sdelay $0x1  }
0xd2: {  	v4 =	vadd.s32 v1, v4;
	_ =	sdelay $0x4  }
0xd3: {  	[tilespmem:s12], [sflag:$0x4] =	stream.indirect_vreg.gather [hbm4b:s2+s3], $0x80, v4, vm0, $0xb8;
	[tilespmem:$0x10400] =	vst v63  }
0xd4: {  	s14 =	simm.s32 $0xCC00;
	v3 =	vperm.xlane v3, v2  }
0xd5: {  	[tilespmem:s14], [sflag:$0x4] =	stream.indirect_vreg.gather [hbm4b:s5+s3], $0x80, v4, vm0, $0xb8;
	[tilespmem:$0x10400] =	vst v63  }
0xd6: {  	v3 =	vadd.s32 v1, v3;
	s14 =	simm.s32 $0xD400  }
0xd7: {  	[tilespmem:s14], [sflag:$0x4] =	stream.indirect_vreg.gather [hbm4b:s6+s3], $0x80, v4, vm0, $0xb8;
	[tilespmem:$0x10400] =	vst v63  }
0xd8: {  	s14 =	simm.s32 $0xDC00  }
0xd9: {  	[tilespmem:s14], [sflag:$0x4] =	stream.indirect_vreg.gather [hbm4b:s7+s3], $0x80, v4, vm0, $0xb8;
	[tilespmem:$0x10400] =	vst v63  }
0xda: {  	s14 =	simm.s32 $0xE400  }
0xdb: {  	[tilespmem:s14], [sflag:$0x4] =	stream.indirect_vreg.gather [hbm4b:s2+s3], $0x80, v3, vm0, $0xb8;
	[tilespmem:$0x10400] =	vst v63  }
0xdc: {  	p0 =	sne.s32 s0, $0x1C000  }
0xdd: {  	[tilespmem:s15], [sflag:$0x4] =	stream.indirect_vreg.gather [hbm4b:s5+s3], $0x80, v3, vm0, $0xb8;
	[tilespmem:$0x10400] =	vst v63  }
.Ltmp0:
0xde: {  	_ = 	snop;
	(pc) =	sbr.rel @p0 .LBB2_2-.Ltmp0, $4  }
0xdf: {  	s22 =	simm.s32 $0x400;
	s0 =	sadd.s32 $0x2000, s0;
	s31 =	simm.s32 $0x4400  }
0xe0: {  	[tilespmem:s19], [sflag:$0x4] =	stream.indirect_vreg.gather [hbm4b:s6+s3], $0x80, v3, vm0, $0xb8;
	[tilespmem:$0x10400] =	vst v63  }
0xe1: {  	s8 =	simm.s32 $0xC00;
	s11 =	simm.s32 $0x8400;
	s1 =	sadd.s32 $0x40, s1  }
0xe2: {  	[tilespmem:s9], [sflag:$0x4] =	stream.indirect_vreg.gather [hbm4b:s7+s3], $0x80, v3, vm0, $0xb8;
	[tilespmem:$0x10400] =	vst v63  }
0xe3: {  	_ =	swait.ge [sflag:s21], $0x4000  }
0xe4: {  	[sflag:s21] =	ssyncset.done $0x0  }
0xe5: {  	s0 =	rddreg [dreg:$0x6];
	[sflag:s21] =	ssyncadd.s32 $0xFFFFC000  }
0xe6: {  	[hbm4b:s0+s3] =	stream.linear.scatter [tilespmem:s22], [sflag:$0x5], $0x4000, $0x38;
	[tilespmem:$0x10400] =	vst v63  }
0xe7: {  	_ =	swait.ge [sflag:s23], $0x4000  }
0xe8: {  	[sflag:s23] =	ssyncset.done $0x0  }
0xe9: {  	[sflag:s23] =	ssyncadd.s32 $0xFFFFC000  }
0xea: {  	_ =	swait.ge [sflag:s24], $0x4000  }
0xeb: {  	[sflag:s24] =	ssyncset.done $0x0  }
0xec: {  	s17 =	rddreg [dreg:$0x7];
	[sflag:s24] =	ssyncadd.s32 $0xFFFFC000  }
0xed: {  	[hbm4b:s17+s3] =	stream.linear.scatter [tilespmem:s31], [sflag:$0x6], $0x4000, $0x38;
	[tilespmem:$0x10400] =	vst v63  }
0xee: {  	_ =	swait.ge [sflag:s25], $0x4000  }
0xef: {  	[sflag:s25] =	ssyncset.done $0x0  }
0xf0: {  	[sflag:s25] =	ssyncadd.s32 $0xFFFFC000  }
0xf1: {  	_ =	swait.ge [sflag:s26], $0x4000  }
0xf2: {  	[sflag:s26] =	ssyncset.done $0x0  }
0xf3: {  	s18 =	rddreg [dreg:$0x8];
	[sflag:s26] =	ssyncadd.s32 $0xFFFFC000  }
0xf4: {  	[hbm4b:s18+s3] =	stream.linear.scatter [tilespmem:s11], [sflag:$0x7], $0x4000, $0x38;
	[tilespmem:$0x10400] =	vst v63  }
0xf5: {  	_ =	swait.ge [sflag:s28], $0x4000  }
0xf6: {  	[sflag:s28] =	ssyncset.done $0x0  }
0xf7: {  	[sflag:s28] =	ssyncadd.s32 $0xFFFFC000  }
0xf8: {  	_ =	swait.ge [sflag:s29], $0x4000  }
0xf9: {  	[sflag:s29] =	ssyncset.done $0x0  }
0xfa: {  	s19 =	rddreg [dreg:$0x9];
	[sflag:s29] =	ssyncadd.s32 $0xFFFFC000  }
0xfb: {  	[hbm4b:s19+s3] =	stream.linear.scatter [tilespmem:s12], [sflag:$0x8], $0x4000, $0x38;
	[tilespmem:$0x10400] =	vst v63  }
0xfc: {  	_ =	swait.ge [sflag:s30], $0x4000  }
0xfd: {  	s1 =	rddreg [dreg:$0xb]  }
0xfe: {  	s20 =	rddreg [dreg:$0xa];
	s1 =	sadd.s32 $0x1, s1  }
0xff: {  	s4 =	simm.s32 $0x1C00;
	p0 =	sne.s32 s1, s20  }
.Ltmp1:
0x100: {  	s9 =	simm.s32 $0x2400;
	s10 =	simm.s32 $0x2C00;
	(pc) =	sbr.rel @p0 .LBB2_1-.Ltmp1, $4  }
0x101: {  	s13 =	simm.s32 $0x3C00;
	s15 =	simm.s32 $0x4C00;
	s16 =	simm.s32 $0x5400  }
0x102: {  	s14 =	simm.s32 $0x6C00;
	s17 =	simm.s32 $0x5C00;
	[sflag:s30] =	ssyncset.done $0x0  }
0x103: {  	s18 =	simm.s32 $0x6400;
	s19 =	simm.s32 $0x3400;
	[sflag:s30] =	ssyncadd.s32 $0xFFFFC000  }
0x104: {  	[dreg:$0xb] =	wrdreg s1;
	s1 =	simm.s32 $0x1400;
	s20 =	simm.s32 $0x7400  }
0x105: {  	_ =	sfence.sel $0x180000  }
0x106: {  	[bflag:$0x0] =	sbarrier.arrive $0xFFFF  }
0x107: {  	_ =	strace $0x90000047  }
0x108: {  	s0 =	stileid.u32;
	[bflag:$0x2] =	sbarrier.arrive $0xFFFF  }
0x109: {  	p0 =	sne.s32 s0, $0x0;
	s0 =	rddreg [dreg:$0x3]  }
0x10a: {  	s0 =	sadd.s32 @!p0 $0x100000, s0  }
0x10b: {  	[sflag:s0] =	ssyncadd.tile.s32 @!p0 $0x1;
	_ =	shalt  }
.Lfunc_end2:
_tile_overlayer_lowered:
.L_overlay_start_2:
0x10c: {  	(tag) =	ssettag $0x2  }
0x10d: {  	s0 =	rddreg [dreg:$0x0];
	s2 =	stileid.u32  }
0x10e: {  	s1 =	rddreg [dreg:$0x1];
	p0 =	sne.s32 s2, $0x0  }
0x10f: {  	s3 =	rddreg [dreg:$0x2];
	[bflag:$0x3] =	sbarrier.arrive $0xFFFF;
	s2 =	simm.s32 @!p0 $0x1C09  }
0x110: {  	[timem:s3], [sflag:s2] =	dma.local @!p0 [hbm:s0], s1  }
0x111: {  	s0 =	simm.s32 @!p0 $0x9  }
0x112: {  	_ =	swait.ge @!p0 [sflag:s0], s1  }
0x113: {  	s1 =	ssub.s32 @!p0 $0x0, s1;
	[sflag:s0] =	ssyncset.done @!p0 $0x0  }
0x114: {  	[sflag:s0] =	ssyncadd.s32 @!p0 s1  }
0x115: {  	[bflag:$0x3] =	sbarrier.arrive $0xFFFF  }
0x116: {  	_ =	shalt  }

</sc_bundles>
